<compile_context>
chip_gen: v7x
topology: tpu7x:2x2x1
jax: 0.10.2.dev20260603
libtpu: 0.0.44.dev20260713+nightly
codegen_flags: <defaults>
</compile_context>

<pallas_src>
import jax
import jax.numpy as jnp
from jax import lax
from jax.experimental import pallas as pl
from jax.experimental.pallas import tpu as pltpu
from jax.experimental.pallas import tpu_sc as plsc

D_MODEL = 64
LANES = 16
NUM_CORES = 2
NW = 32
BATCH = 1024 * 200
ROWS_PER_W = BATCH // NW
GROUP = 640
NGROUPS = ROWS_PER_W // GROUP
SCALE = 8.0
PAD = 0


def _emb_body(idx_hbm, table_hbm, out_hbm, idx_v, buf, sem):
    w = lax.axis_index("s") * NUM_CORES + lax.axis_index("c")
    pltpu.sync_copy(idx_hbm.at[pl.ds(w * ROWS_PER_W, ROWS_PER_W)], idx_v)

    def group_body(g, carry):
        base = g * GROUP

        def fire_body(j, c2):
            idx16 = idx_v[pl.ds(base + j * LANES, LANES)]
            for r in range(LANES):
                v = idx16[r]
                pltpu.async_copy(table_hbm.at[v], buf.at[j * LANES + r], sem)
            return c2

        lax.fori_loop(0, GROUP // LANES, fire_body, 0)
        pltpu.make_async_copy(table_hbm.at[pl.ds(0, GROUP)], buf, sem).wait()

        def j_body(j, c2):
            idx16 = idx_v[pl.ds(base + j * LANES, LANES)]
            s16 = jnp.where(idx16 == PAD, 0.0, SCALE).astype(jnp.float32)
            for r in range(LANES):
                sv = lax.broadcast_in_dim(s16[r], (LANES,), ())
                row = j * LANES + r
                for c in range(D_MODEL // LANES):
                    sl = pl.ds(c * LANES, LANES)
                    buf[row, sl] = buf[row, sl] * sv
            return c2

        lax.fori_loop(0, GROUP // LANES, j_body, 0)

        pltpu.sync_copy(buf, out_hbm.at[pl.ds(w * ROWS_PER_W + base, GROUP)])
        return carry

    lax.fori_loop(0, NGROUPS, group_body, 0)


def kernel(x, table):
    idx1 = x.reshape(BATCH).astype(jnp.int32)
    mesh = plsc.VectorSubcoreMesh(core_axis_name="c", subcore_axis_name="s")
    out = pl.kernel(
        _emb_body,
        mesh=mesh,
        out_type=jax.ShapeDtypeStruct((BATCH, D_MODEL), jnp.float32),
        scratch_types=[
            pltpu.VMEM((ROWS_PER_W,), jnp.int32),
            pltpu.VMEM((GROUP, D_MODEL), jnp.float32),
            pltpu.SemaphoreType.DMA,
        ],
    )(idx1, table)
    return out.reshape(x.shape[0], x.shape[1], D_MODEL)

# --- scband reference (transcript-rebuilt; emitter-appended) ---
"""Pipeline reference for scband-embedding-78735340470343 (READ-ONLY COPY).

The authoritative reference and input builder live on the scoring server;
editing this copy changes nothing except your own understanding.
"""

import jax, jax.numpy as jnp
import numpy as np

D_MODEL = 64
VOCAB = 1000000
PAD_IDX = 0

def setup_inputs(seed: int = 0) -> dict:
    key = jax.random.key(seed)
    k1, k2 = jax.random.split(key)
    x = jax.random.randint(k1, (1024, 200), 0, VOCAB, dtype=jnp.int64 if jax.config.jax_enable_x64 else jnp.int32)
    table = jax.random.normal(k2, (VOCAB, D_MODEL), dtype=jnp.float32)
    return {"x": x, "table": table}

def reference(x, table):
    # nn.Embedding(vocab, d_model, padding_idx=PAD_IDX): padding row contributes zeros.
    table_eff = table.at[PAD_IDX].set(0.0)
    emb = jnp.take(table_eff, x, axis=0)
    return emb * np.sqrt(D_MODEL).astype(np.float32)

if __name__ == "__main__":
    import jax
    _d = setup_inputs()
    print(jax.jit(kernel)(*tuple(_d.values())))

</pallas_src>

<mosaic_0001>
#map = affine_map<(d0, d1) -> (0)>
#map1 = affine_map<(d0, d1) -> (0, 0)>
module attributes {stable_mosaic.version = 14 : i64} {
  func.func @_emb_body(%arg0: i32, %arg1: i32, %arg2: memref<204800xi32, #tpu.memory_space<hbm>>, %arg3: memref<1000000x64xf32, #tpu.memory_space<hbm>>, %arg4: memref<204800x64xf32, #tpu.memory_space<hbm>>, %arg5: memref<6400xi32, #tpu.memory_space<vmem>>, %arg6: memref<640x64xf32, #tpu.memory_space<vmem>>, %arg7: memref<!tpu.dma_semaphore, #tpu.memory_space<semaphore_mem>>) attributes {dimension_semantics = [#tpu.dimension_semantics<core_parallel>, #tpu.dimension_semantics<subcore_parallel>], iteration_bounds = array<i64: 2, 16>, scalar_prefetch = 0 : i64, scratch_operands = 3 : i64, tpu.core_type = #tpu.core_type<sc_vector_subcore>, window_params = [{transform_indices = #map}, {transform_indices = #map1}, {transform_indices = #map1}]} {
    %mul3A = arith.constant 2 : i32
    %mul3A_0 = arith.muli %arg1, %mul3A : i32
    %add3A = arith.addi %mul3A_0, %arg0 : i32
    %mul3A_1 = arith.constant 6400 : i32
    %mul3A_2 = arith.muli %add3A, %mul3A_1 : i32
    "tpu.region"() ({
      %run_scoped3A = tpu.sem_alloc : memref<!tpu.dma_semaphore, #tpu.memory_space<semaphore_mem>>
      %dma_start3A = tpu.memref_slice %arg2[%mul3A_2] : memref<204800xi32, #tpu.memory_space<hbm>> -> memref<6400xi32, #tpu.memory_space<hbm>>
      %dma_start3A_8 = tpu.memref_slice %arg2[%mul3A_2] : memref<204800xi32, #tpu.memory_space<hbm>> -> memref<6400xi32, #tpu.memory_space<hbm>>
      tpu.enqueue_dma source(%dma_start3A_8 : memref<6400xi32, #tpu.memory_space<hbm>>) target(%arg5 : memref<6400xi32, #tpu.memory_space<vmem>>) target_semaphore(%run_scoped3A : memref<!tpu.dma_semaphore, #tpu.memory_space<semaphore_mem>>)
      %dma_wait3A = tpu.memref_slice %arg2[%mul3A_2] : memref<204800xi32, #tpu.memory_space<hbm>> -> memref<6400xi32, #tpu.memory_space<hbm>>
      %dma_wait3A_9 = tpu.memref_slice %arg2[%mul3A_2] : memref<204800xi32, #tpu.memory_space<hbm>> -> memref<6400xi32, #tpu.memory_space<hbm>>
      tpu.wait_dma2 semaphore(%run_scoped3A : memref<!tpu.dma_semaphore, #tpu.memory_space<semaphore_mem>>) src(%dma_wait3A_9 : memref<6400xi32, #tpu.memory_space<hbm>>) dst(%arg5 : memref<6400xi32, #tpu.memory_space<vmem>>)
      tpu.yield
    }) : () -> ()
    %scan3A = arith.constant 0 : i32
    %scan3A_3 = arith.constant 0 : i32
    %scan3A_4 = arith.constant 10 : i32
    %scan3A_5 = arith.addi %scan3A_3, %scan3A_4 : i32
    %scan3A_6 = arith.constant 1 : i32
    scf.for %scan3A_8 = %scan3A_3 to %scan3A_5 step %scan3A_6  : i32 {
      %mul3A_9 = arith.constant 640 : i32
      %mul3A_10 = arith.muli %scan3A_8, %mul3A_9 : i32
      %scan3A_11 = arith.constant 0 : i32
      %scan3A_12 = arith.constant 0 : i32
      %scan3A_13 = arith.constant 40 : i32
      %scan3A_14 = arith.addi %scan3A_12, %scan3A_13 : i32
      %scan3A_15 = arith.constant 1 : i32
      scf.for %scan3A_31 = %scan3A_12 to %scan3A_14 step %scan3A_15  : i32 {
        %mul3A_32 = arith.constant 16 : i32
        %mul3A_33 = arith.muli %scan3A_31, %mul3A_32 : i32
        %add3A_34 = arith.addi %mul3A_10, %mul3A_33 : i32
        %get3A = arith.index_cast %add3A_34 : i32 to index
        %get3A_35 = tpu.vector_load %arg5[%get3A] {strides = array<i32>} : memref<6400xi32, #tpu.memory_space<vmem>>, vector<16xi32>,
        %get3A_36 = vector.shape_cast %get3A_35 : vector<16xi32> to vector<16xi32>
        %slice3A = vector.extract_strided_slice %get3A_36 {offsets = [0], sizes = [1], strides = [1]} : vector<16xi32> to vector<1xi32>
        %squeeze3A = vector.extract %slice3A[0] : i32 from vector<1xi32>
        %mul3A_37 = arith.constant 16 : i32
        %mul3A_38 = arith.muli %scan3A_31, %mul3A_37 : i32
        %add3A_39 = arith.constant 0 : i32
        %add3A_40 = arith.addi %mul3A_38, %add3A_39 : i32
        %dma_start3A = arith.constant 0 : i32
        %dma_start3A_41 = tpu.memref_slice %arg6[%add3A_40, %dma_start3A] : memref<640x64xf32, #tpu.memory_space<vmem>> -> memref<1x64xf32, #tpu.memory_space<vmem>>
        %dma_start3A_42 = tpu.memref_squeeze %dma_start3A_41 : memref<1x64xf32, #tpu.memory_space<vmem>> -> memref<64xf32, #tpu.memory_space<vmem>>
        %dma_start3A_43 = arith.constant 0 : i32
        %dma_start3A_44 = tpu.memref_slice %arg3[%squeeze3A, %dma_start3A_43] : memref<1000000x64xf32, #tpu.memory_space<hbm>> -> memref<1x64xf32, #tpu.memory_space<hbm>>
        %dma_start3A_45 = tpu.memref_squeeze %dma_start3A_44 : memref<1x64xf32, #tpu.memory_space<hbm>> -> memref<64xf32, #tpu.memory_space<hbm>>
        %dma_start3A_46 = arith.constant 0 : i32
        %dma_start3A_47 = tpu.memref_slice %arg6[%add3A_40, %dma_start3A_46] : memref<640x64xf32, #tpu.memory_space<vmem>> -> memref<1x64xf32, #tpu.memory_space<vmem>>
        %dma_start3A_48 = tpu.memref_squeeze %dma_start3A_47 : memref<1x64xf32, #tpu.memory_space<vmem>> -> memref<64xf32, #tpu.memory_space<vmem>>
        %dma_start3A_49 = arith.constant 0 : i32
        %dma_start3A_50 = tpu.memref_slice %arg3[%squeeze3A, %dma_start3A_49] : memref<1000000x64xf32, #tpu.memory_space<hbm>> -> memref<1x64xf32, #tpu.memory_space<hbm>>
        %dma_start3A_51 = tpu.memref_squeeze %dma_start3A_50 : memref<1x64xf32, #tpu.memory_space<hbm>> -> memref<64xf32, #tpu.memory_space<hbm>>
        tpu.enqueue_dma source(%dma_start3A_51 : memref<64xf32, #tpu.memory_space<hbm>>) target(%dma_start3A_48 : memref<64xf32, #tpu.memory_space<vmem>>) target_semaphore(%arg7 : memref<!tpu.dma_semaphore, #tpu.memory_space<semaphore_mem>>)
        %slice3A_52 = vector.extract_strided_slice %get3A_36 {offsets = [1], sizes = [1], strides = [1]} : vector<16xi32> to vector<1xi32>
        %squeeze3A_53 = vector.extract %slice3A_52[0] : i32 from vector<1xi32>
        %mul3A_54 = arith.constant 16 : i32
        %mul3A_55 = arith.muli %scan3A_31, %mul3A_54 : i32
        %add3A_56 = arith.constant 1 : i32
        %add3A_57 = arith.addi %mul3A_55, %add3A_56 : i32
        %dma_start3A_58 = arith.constant 0 : i32
        %dma_start3A_59 = tpu.memref_slice %arg6[%add3A_57, %dma_start3A_58] : memref<640x64xf32, #tpu.memory_space<vmem>> -> memref<1x64xf32, #tpu.memory_space<vmem>>
        %dma_start3A_60 = tpu.memref_squeeze %dma_start3A_59 : memref<1x64xf32, #tpu.memory_space<vmem>> -> memref<64xf32, #tpu.memory_space<vmem>>
        %dma_start3A_61 = arith.constant 0 : i32
        %dma_start3A_62 = tpu.memref_slice %arg3[%squeeze3A_53, %dma_start3A_61] : memref<1000000x64xf32, #tpu.memory_space<hbm>> -> memref<1x64xf32, #tpu.memory_space<hbm>>
        %dma_start3A_63 = tpu.memref_squeeze %dma_start3A_62 : memref<1x64xf32, #tpu.memory_space<hbm>> -> memref<64xf32, #tpu.memory_space<hbm>>
        %dma_start3A_64 = arith.constant 0 : i32
        %dma_start3A_65 = tpu.memref_slice %arg6[%add3A_57, %dma_start3A_64] : memref<640x64xf32, #tpu.memory_space<vmem>> -> memref<1x64xf32, #tpu.memory_space<vmem>>
        %dma_start3A_66 = tpu.memref_squeeze %dma_start3A_65 : memref<1x64xf32, #tpu.memory_space<vmem>> -> memref<64xf32, #tpu.memory_space<vmem>>
        %dma_start3A_67 = arith.constant 0 : i32
        %dma_start3A_68 = tpu.memref_slice %arg3[%squeeze3A_53, %dma_start3A_67] : memref<1000000x64xf32, #tpu.memory_space<hbm>> -> memref<1x64xf32, #tpu.memory_space<hbm>>
        %dma_start3A_69 = tpu.memref_squeeze %dma_start3A_68 : memref<1x64xf32, #tpu.memory_space<hbm>> -> memref<64xf32, #tpu.memory_space<hbm>>
        tpu.enqueue_dma source(%dma_start3A_69 : memref<64xf32, #tpu.memory_space<hbm>>) target(%dma_start3A_66 : memref<64xf32, #tpu.memory_space<vmem>>) target_semaphore(%arg7 : memref<!tpu.dma_semaphore, #tpu.memory_space<semaphore_mem>>)
        %slice3A_70 = vector.extract_strided_slice %get3A_36 {offsets = [2], sizes = [1], strides = [1]} : vector<16xi32> to vector<1xi32>
        %squeeze3A_71 = vector.extract %slice3A_70[0] : i32 from vector<1xi32>
        %mul3A_72 = arith.constant 16 : i32
        %mul3A_73 = arith.muli %scan3A_31, %mul3A_72 : i32
        %add3A_74 = arith.constant 2 : i32
        %add3A_75 = arith.addi %mul3A_73, %add3A_74 : i32
        %dma_start3A_76 = arith.constant 0 : i32
        %dma_start3A_77 = tpu.memref_slice %arg6[%add3A_75, %dma_start3A_76] : memref<640x64xf32, #tpu.memory_space<vmem>> -> memref<1x64xf32, #tpu.memory_space<vmem>>
        %dma_start3A_78 = tpu.memref_squeeze %dma_start3A_77 : memref<1x64xf32, #tpu.memory_space<vmem>> -> memref<64xf32, #tpu.memory_space<vmem>>
        %dma_start3A_79 = arith.constant 0 : i32
        %dma_start3A_80 = tpu.memref_slice %arg3[%squeeze3A_71, %dma_start3A_79] : memref<1000000x64xf32, #tpu.memory_space<hbm>> -> memref<1x64xf32, #tpu.memory_space<hbm>>
        %dma_start3A_81 = tpu.memref_squeeze %dma_start3A_80 : memref<1x64xf32, #tpu.memory_space<hbm>> -> memref<64xf32, #tpu.memory_space<hbm>>
        %dma_start3A_82 = arith.constant 0 : i32
        %dma_start3A_83 = tpu.memref_slice %arg6[%add3A_75, %dma_start3A_82] : memref<640x64xf32, #tpu.memory_space<vmem>> -> memref<1x64xf32, #tpu.memory_space<vmem>>
        %dma_start3A_84 = tpu.memref_squeeze %dma_start3A_83 : memref<1x64xf32, #tpu.memory_space<vmem>> -> memref<64xf32, #tpu.memory_space<vmem>>
        %dma_start3A_85 = arith.constant 0 : i32
        %dma_start3A_86 = tpu.memref_slice %arg3[%squeeze3A_71, %dma_start3A_85] : memref<1000000x64xf32, #tpu.memory_space<hbm>> -> memref<1x64xf32, #tpu.memory_space<hbm>>
        %dma_start3A_87 = tpu.memref_squeeze %dma_start3A_86 : memref<1x64xf32, #tpu.memory_space<hbm>> -> memref<64xf32, #tpu.memory_space<hbm>>
        tpu.enqueue_dma source(%dma_start3A_87 : memref<64xf32, #tpu.memory_space<hbm>>) target(%dma_start3A_84 : memref<64xf32, #tpu.memory_space<vmem>>) target_semaphore(%arg7 : memref<!tpu.dma_semaphore, #tpu.memory_space<semaphore_mem>>)
        %slice3A_88 = vector.extract_strided_slice %get3A_36 {offsets = [3], sizes = [1], strides = [1]} : vector<16xi32> to vector<1xi32>
        %squeeze3A_89 = vector.extract %slice3A_88[0] : i32 from vector<1xi32>
        %mul3A_90 = arith.constant 16 : i32
        %mul3A_91 = arith.muli %scan3A_31, %mul3A_90 : i32
        %add3A_92 = arith.constant 3 : i32
        %add3A_93 = arith.addi %mul3A_91, %add3A_92 : i32
        %dma_start3A_94 = arith.constant 0 : i32
        %dma_start3A_95 = tpu.memref_slice %arg6[%add3A_93, %dma_start3A_94] : memref<640x64xf32, #tpu.memory_space<vmem>> -> memref<1x64xf32, #tpu.memory_space<vmem>>
        %dma_start3A_96 = tpu.memref_squeeze %dma_start3A_95 : memref<1x64xf32, #tpu.memory_space<vmem>> -> memref<64xf32, #tpu.memory_space<vmem>>
        %dma_start3A_97 = arith.constant 0 : i32
        %dma_start3A_98 = tpu.memref_slice %arg3[%squeeze3A_89, %dma_start3A_97] : memref<1000000x64xf32, #tpu.memory_space<hbm>> -> memref<1x64xf32, #tpu.memory_space<hbm>>
        %dma_start3A_99 = tpu.memref_squeeze %dma_start3A_98 : memref<1x64xf32, #tpu.memory_space<hbm>> -> memref<64xf32, #tpu.memory_space<hbm>>
        %dma_start3A_100 = arith.constant 0 : i32
        %dma_start3A_101 = tpu.memref_slice %arg6[%add3A_93, %dma_start3A_100] : memref<640x64xf32, #tpu.memory_space<vmem>> -> memref<1x64xf32, #tpu.memory_space<vmem>>
        %dma_start3A_102 = tpu.memref_squeeze %dma_start3A_101 : memref<1x64xf32, #tpu.memory_space<vmem>> -> memref<64xf32, #tpu.memory_space<vmem>>
        %dma_start3A_103 = arith.constant 0 : i32
        %dma_start3A_104 = tpu.memref_slice %arg3[%squeeze3A_89, %dma_start3A_103] : memref<1000000x64xf32, #tpu.memory_space<hbm>> -> memref<1x64xf32, #tpu.memory_space<hbm>>
        %dma_start3A_105 = tpu.memref_squeeze %dma_start3A_104 : memref<1x64xf32, #tpu.memory_space<hbm>> -> memref<64xf32, #tpu.memory_space<hbm>>
        tpu.enqueue_dma source(%dma_start3A_105 : memref<64xf32, #tpu.memory_space<hbm>>) target(%dma_start3A_102 : memref<64xf32, #tpu.memory_space<vmem>>) target_semaphore(%arg7 : memref<!tpu.dma_semaphore, #tpu.memory_space<semaphore_mem>>)
        %slice3A_106 = vector.extract_strided_slice %get3A_36 {offsets = [4], sizes = [1], strides = [1]} : vector<16xi32> to vector<1xi32>
        %squeeze3A_107 = vector.extract %slice3A_106[0] : i32 from vector<1xi32>
        %mul3A_108 = arith.constant 16 : i32
        %mul3A_109 = arith.muli %scan3A_31, %mul3A_108 : i32
        %add3A_110 = arith.constant 4 : i32
        %add3A_111 = arith.addi %mul3A_109, %add3A_110 : i32
        %dma_start3A_112 = arith.constant 0 : i32
        %dma_start3A_113 = tpu.memref_slice %arg6[%add3A_111, %dma_start3A_112] : memref<640x64xf32, #tpu.memory_space<vmem>> -> memref<1x64xf32, #tpu.memory_space<vmem>>
        %dma_start3A_114 = tpu.memref_squeeze %dma_start3A_113 : memref<1x64xf32, #tpu.memory_space<vmem>> -> memref<64xf32, #tpu.memory_space<vmem>>
        %dma_start3A_115 = arith.constant 0 : i32
        %dma_start3A_116 = tpu.memref_slice %arg3[%squeeze3A_107, %dma_start3A_115] : memref<1000000x64xf32, #tpu.memory_space<hbm>> -> memref<1x64xf32, #tpu.memory_space<hbm>>
        %dma_start3A_117 = tpu.memref_squeeze %dma_start3A_116 : memref<1x64xf32, #tpu.memory_space<hbm>> -> memref<64xf32, #tpu.memory_space<hbm>>
        %dma_start3A_118 = arith.constant 0 : i32
        %dma_start3A_119 = tpu.memref_slice %arg6[%add3A_111, %dma_start3A_118] : memref<640x64xf32, #tpu.memory_space<vmem>> -> memref<1x64xf32, #tpu.memory_space<vmem>>
        %dma_start3A_120 = tpu.memref_squeeze %dma_start3A_119 : memref<1x64xf32, #tpu.memory_space<vmem>> -> memref<64xf32, #tpu.memory_space<vmem>>
        %dma_start3A_121 = arith.constant 0 : i32
        %dma_start3A_122 = tpu.memref_slice %arg3[%squeeze3A_107, %dma_start3A_121] : memref<1000000x64xf32, #tpu.memory_space<hbm>> -> memref<1x64xf32, #tpu.memory_space<hbm>>
        %dma_start3A_123 = tpu.memref_squeeze %dma_start3A_122 : memref<1x64xf32, #tpu.memory_space<hbm>> -> memref<64xf32, #tpu.memory_space<hbm>>
        tpu.enqueue_dma source(%dma_start3A_123 : memref<64xf32, #tpu.memory_space<hbm>>) target(%dma_start3A_120 : memref<64xf32, #tpu.memory_space<vmem>>) target_semaphore(%arg7 : memref<!tpu.dma_semaphore, #tpu.memory_space<semaphore_mem>>)
        %slice3A_124 = vector.extract_strided_slice %get3A_36 {offsets = [5], sizes = [1], strides = [1]} : vector<16xi32> to vector<1xi32>
        %squeeze3A_125 = vector.extract %slice3A_124[0] : i32 from vector<1xi32>
        %mul3A_126 = arith.constant 16 : i32
        %mul3A_127 = arith.muli %scan3A_31, %mul3A_126 : i32
        %add3A_128 = arith.constant 5 : i32
        %add3A_129 = arith.addi %mul3A_127, %add3A_128 : i32
        %dma_start3A_130 = arith.constant 0 : i32
        %dma_start3A_131 = tpu.memref_slice %arg6[%add3A_129, %dma_start3A_130] : memref<640x64xf32, #tpu.memory_space<vmem>> -> memref<1x64xf32, #tpu.memory_space<vmem>>
        %dma_start3A_132 = tpu.memref_squeeze %dma_start3A_131 : memref<1x64xf32, #tpu.memory_space<vmem>> -> memref<64xf32, #tpu.memory_space<vmem>>
        %dma_start3A_133 = arith.constant 0 : i32
        %dma_start3A_134 = tpu.memref_slice %arg3[%squeeze3A_125, %dma_start3A_133] : memref<1000000x64xf32, #tpu.memory_space<hbm>> -> memref<1x64xf32, #tpu.memory_space<hbm>>
        %dma_start3A_135 = tpu.memref_squeeze %dma_start3A_134 : memref<1x64xf32, #tpu.memory_space<hbm>> -> memref<64xf32, #tpu.memory_space<hbm>>
        %dma_start3A_136 = arith.constant 0 : i32
        %dma_start3A_137 = tpu.memref_slice %arg6[%add3A_129, %dma_start3A_136] : memref<640x64xf32, #tpu.memory_space<vmem>> -> memref<1x64xf32, #tpu.memory_space<vmem>>
        %dma_start3A_138 = tpu.memref_squeeze %dma_start3A_137 : memref<1x64xf32, #tpu.memory_space<vmem>> -> memref<64xf32, #tpu.memory_space<vmem>>
        %dma_start3A_139 = arith.constant 0 : i32
        %dma_start3A_140 = tpu.memref_slice %arg3[%squeeze3A_125, %dma_start3A_139] : memref<1000000x64xf32, #tpu.memory_space<hbm>> -> memref<1x64xf32, #tpu.memory_space<hbm>>
        %dma_start3A_141 = tpu.memref_squeeze %dma_start3A_140 : memref<1x64xf32, #tpu.memory_space<hbm>> -> memref<64xf32, #tpu.memory_space<hbm>>
        tpu.enqueue_dma source(%dma_start3A_141 : memref<64xf32, #tpu.memory_space<hbm>>) target(%dma_start3A_138 : memref<64xf32, #tpu.memory_space<vmem>>) target_semaphore(%arg7 : memref<!tpu.dma_semaphore, #tpu.memory_space<semaphore_mem>>)
        %slice3A_142 = vector.extract_strided_slice %get3A_36 {offsets = [6], sizes = [1], strides = [1]} : vector<16xi32> to vector<1xi32>
        %squeeze3A_143 = vector.extract %slice3A_142[0] : i32 from vector<1xi32>
        %mul3A_144 = arith.constant 16 : i32
        %mul3A_145 = arith.muli %scan3A_31, %mul3A_144 : i32
        %add3A_146 = arith.constant 6 : i32
        %add3A_147 = arith.addi %mul3A_145, %add3A_146 : i32
        %dma_start3A_148 = arith.constant 0 : i32
        %dma_start3A_149 = tpu.memref_slice %arg6[%add3A_147, %dma_start3A_148] : memref<640x64xf32, #tpu.memory_space<vmem>> -> memref<1x64xf32, #tpu.memory_space<vmem>>
        %dma_start3A_150 = tpu.memref_squeeze %dma_start3A_149 : memref<1x64xf32, #tpu.memory_space<vmem>> -> memref<64xf32, #tpu.memory_space<vmem>>
        %dma_start3A_151 = arith.constant 0 : i32
        %dma_start3A_152 = tpu.memref_slice %arg3[%squeeze3A_143, %dma_start3A_151] : memref<1000000x64xf32, #tpu.memory_space<hbm>> -> memref<1x64xf32, #tpu.memory_space<hbm>>
        %dma_start3A_153 = tpu.memref_squeeze %dma_start3A_152 : memref<1x64xf32, #tpu.memory_space<hbm>> -> memref<64xf32, #tpu.memory_space<hbm>>
        %dma_start3A_154 = arith.constant 0 : i32
        %dma_start3A_155 = tpu.memref_slice %arg6[%add3A_147, %dma_start3A_154] : memref<640x64xf32, #tpu.memory_space<vmem>> -> memref<1x64xf32, #tpu.memory_space<vmem>>
        %dma_start3A_156 = tpu.memref_squeeze %dma_start3A_155 : memref<1x64xf32, #tpu.memory_space<vmem>> -> memref<64xf32, #tpu.memory_space<vmem>>
        %dma_start3A_157 = arith.constant 0 : i32
        %dma_start3A_158 = tpu.memref_slice %arg3[%squeeze3A_143, %dma_start3A_157] : memref<1000000x64xf32, #tpu.memory_space<hbm>> -> memref<1x64xf32, #tpu.memory_space<hbm>>
        %dma_start3A_159 = tpu.memref_squeeze %dma_start3A_158 : memref<1x64xf32, #tpu.memory_space<hbm>> -> memref<64xf32, #tpu.memory_space<hbm>>
        tpu.enqueue_dma source(%dma_start3A_159 : memref<64xf32, #tpu.memory_space<hbm>>) target(%dma_start3A_156 : memref<64xf32, #tpu.memory_space<vmem>>) target_semaphore(%arg7 : memref<!tpu.dma_semaphore, #tpu.memory_space<semaphore_mem>>)
        %slice3A_160 = vector.extract_strided_slice %get3A_36 {offsets = [7], sizes = [1], strides = [1]} : vector<16xi32> to vector<1xi32>
        %squeeze3A_161 = vector.extract %slice3A_160[0] : i32 from vector<1xi32>
        %mul3A_162 = arith.constant 16 : i32
        %mul3A_163 = arith.muli %scan3A_31, %mul3A_162 : i32
        %add3A_164 = arith.constant 7 : i32
        %add3A_165 = arith.addi %mul3A_163, %add3A_164 : i32
        %dma_start3A_166 = arith.constant 0 : i32
        %dma_start3A_167 = tpu.memref_slice %arg6[%add3A_165, %dma_start3A_166] : memref<640x64xf32, #tpu.memory_space<vmem>> -> memref<1x64xf32, #tpu.memory_space<vmem>>
        %dma_start3A_168 = tpu.memref_squeeze %dma_start3A_167 : memref<1x64xf32, #tpu.memory_space<vmem>> -> memref<64xf32, #tpu.memory_space<vmem>>
        %dma_start3A_169 = arith.constant 0 : i32
        %dma_start3A_170 = tpu.memref_slice %arg3[%squeeze3A_161, %dma_start3A_169] : memref<1000000x64xf32, #tpu.memory_space<hbm>> -> memref<1x64xf32, #tpu.memory_space<hbm>>
        %dma_start3A_171 = tpu.memref_squeeze %dma_start3A_170 : memref<1x64xf32, #tpu.memory_space<hbm>> -> memref<64xf32, #tpu.memory_space<hbm>>
        %dma_start3A_172 = arith.constant 0 : i32
        %dma_start3A_173 = tpu.memref_slice %arg6[%add3A_165, %dma_start3A_172] : memref<640x64xf32, #tpu.memory_space<vmem>> -> memref<1x64xf32, #tpu.memory_space<vmem>>
        %dma_start3A_174 = tpu.memref_squeeze %dma_start3A_173 : memref<1x64xf32, #tpu.memory_space<vmem>> -> memref<64xf32, #tpu.memory_space<vmem>>
        %dma_start3A_175 = arith.constant 0 : i32
        %dma_start3A_176 = tpu.memref_slice %arg3[%squeeze3A_161, %dma_start3A_175] : memref<1000000x64xf32, #tpu.memory_space<hbm>> -> memref<1x64xf32, #tpu.memory_space<hbm>>
        %dma_start3A_177 = tpu.memref_squeeze %dma_start3A_176 : memref<1x64xf32, #tpu.memory_space<hbm>> -> memref<64xf32, #tpu.memory_space<hbm>>
        tpu.enqueue_dma source(%dma_start3A_177 : memref<64xf32, #tpu.memory_space<hbm>>) target(%dma_start3A_174 : memref<64xf32, #tpu.memory_space<vmem>>) target_semaphore(%arg7 : memref<!tpu.dma_semaphore, #tpu.memory_space<semaphore_mem>>)
        %slice3A_178 = vector.extract_strided_slice %get3A_36 {offsets = [8], sizes = [1], strides = [1]} : vector<16xi32> to vector<1xi32>
        %squeeze3A_179 = vector.extract %slice3A_178[0] : i32 from vector<1xi32>
        %mul3A_180 = arith.constant 16 : i32
        %mul3A_181 = arith.muli %scan3A_31, %mul3A_180 : i32
        %add3A_182 = arith.constant 8 : i32
        %add3A_183 = arith.addi %mul3A_181, %add3A_182 : i32
        %dma_start3A_184 = arith.constant 0 : i32
        %dma_start3A_185 = tpu.memref_slice %arg6[%add3A_183, %dma_start3A_184] : memref<640x64xf32, #tpu.memory_space<vmem>> -> memref<1x64xf32, #tpu.memory_space<vmem>>
        %dma_start3A_186 = tpu.memref_squeeze %dma_start3A_185 : memref<1x64xf32, #tpu.memory_space<vmem>> -> memref<64xf32, #tpu.memory_space<vmem>>
        %dma_start3A_187 = arith.constant 0 : i32
        %dma_start3A_188 = tpu.memref_slice %arg3[%squeeze3A_179, %dma_start3A_187] : memref<1000000x64xf32, #tpu.memory_space<hbm>> -> memref<1x64xf32, #tpu.memory_space<hbm>>
        %dma_start3A_189 = tpu.memref_squeeze %dma_start3A_188 : memref<1x64xf32, #tpu.memory_space<hbm>> -> memref<64xf32, #tpu.memory_space<hbm>>
        %dma_start3A_190 = arith.constant 0 : i32
        %dma_start3A_191 = tpu.memref_slice %arg6[%add3A_183, %dma_start3A_190] : memref<640x64xf32, #tpu.memory_space<vmem>> -> memref<1x64xf32, #tpu.memory_space<vmem>>
        %dma_start3A_192 = tpu.memref_squeeze %dma_start3A_191 : memref<1x64xf32, #tpu.memory_space<vmem>> -> memref<64xf32, #tpu.memory_space<vmem>>
        %dma_start3A_193 = arith.constant 0 : i32
        %dma_start3A_194 = tpu.memref_slice %arg3[%squeeze3A_179, %dma_start3A_193] : memref<1000000x64xf32, #tpu.memory_space<hbm>> -> memref<1x64xf32, #tpu.memory_space<hbm>>
        %dma_start3A_195 = tpu.memref_squeeze %dma_start3A_194 : memref<1x64xf32, #tpu.memory_space<hbm>> -> memref<64xf32, #tpu.memory_space<hbm>>
        tpu.enqueue_dma source(%dma_start3A_195 : memref<64xf32, #tpu.memory_space<hbm>>) target(%dma_start3A_192 : memref<64xf32, #tpu.memory_space<vmem>>) target_semaphore(%arg7 : memref<!tpu.dma_semaphore, #tpu.memory_space<semaphore_mem>>)
        %slice3A_196 = vector.extract_strided_slice %get3A_36 {offsets = [9], sizes = [1], strides = [1]} : vector<16xi32> to vector<1xi32>
        %squeeze3A_197 = vector.extract %slice3A_196[0] : i32 from vector<1xi32>
        %mul3A_198 = arith.constant 16 : i32
        %mul3A_199 = arith.muli %scan3A_31, %mul3A_198 : i32
        %add3A_200 = arith.constant 9 : i32
        %add3A_201 = arith.addi %mul3A_199, %add3A_200 : i32
        %dma_start3A_202 = arith.constant 0 : i32
        %dma_start3A_203 = tpu.memref_slice %arg6[%add3A_201, %dma_start3A_202] : memref<640x64xf32, #tpu.memory_space<vmem>> -> memref<1x64xf32, #tpu.memory_space<vmem>>
        %dma_start3A_204 = tpu.memref_squeeze %dma_start3A_203 : memref<1x64xf32, #tpu.memory_space<vmem>> -> memref<64xf32, #tpu.memory_space<vmem>>
        %dma_start3A_205 = arith.constant 0 : i32
        %dma_start3A_206 = tpu.memref_slice %arg3[%squeeze3A_197, %dma_start3A_205] : memref<1000000x64xf32, #tpu.memory_space<hbm>> -> memref<1x64xf32, #tpu.memory_space<hbm>>
        %dma_start3A_207 = tpu.memref_squeeze %dma_start3A_206 : memref<1x64xf32, #tpu.memory_space<hbm>> -> memref<64xf32, #tpu.memory_space<hbm>>
        %dma_start3A_208 = arith.constant 0 : i32
        %dma_start3A_209 = tpu.memref_slice %arg6[%add3A_201, %dma_start3A_208] : memref<640x64xf32, #tpu.memory_space<vmem>> -> memref<1x64xf32, #tpu.memory_space<vmem>>
        %dma_start3A_210 = tpu.memref_squeeze %dma_start3A_209 : memref<1x64xf32, #tpu.memory_space<vmem>> -> memref<64xf32, #tpu.memory_space<vmem>>
        %dma_start3A_211 = arith.constant 0 : i32
        %dma_start3A_212 = tpu.memref_slice %arg3[%squeeze3A_197, %dma_start3A_211] : memref<1000000x64xf32, #tpu.memory_space<hbm>> -> memref<1x64xf32, #tpu.memory_space<hbm>>
        %dma_start3A_213 = tpu.memref_squeeze %dma_start3A_212 : memref<1x64xf32, #tpu.memory_space<hbm>> -> memref<64xf32, #tpu.memory_space<hbm>>
        tpu.enqueue_dma source(%dma_start3A_213 : memref<64xf32, #tpu.memory_space<hbm>>) target(%dma_start3A_210 : memref<64xf32, #tpu.memory_space<vmem>>) target_semaphore(%arg7 : memref<!tpu.dma_semaphore, #tpu.memory_space<semaphore_mem>>)
        %slice3A_214 = vector.extract_strided_slice %get3A_36 {offsets = [10], sizes = [1], strides = [1]} : vector<16xi32> to vector<1xi32>
        %squeeze3A_215 = vector.extract %slice3A_214[0] : i32 from vector<1xi32>
        %mul3A_216 = arith.constant 16 : i32
        %mul3A_217 = arith.muli %scan3A_31, %mul3A_216 : i32
        %add3A_218 = arith.constant 10 : i32
        %add3A_219 = arith.addi %mul3A_217, %add3A_218 : i32
        %dma_start3A_220 = arith.constant 0 : i32
        %dma_start3A_221 = tpu.memref_slice %arg6[%add3A_219, %dma_start3A_220] : memref<640x64xf32, #tpu.memory_space<vmem>> -> memref<1x64xf32, #tpu.memory_space<vmem>>
        %dma_start3A_222 = tpu.memref_squeeze %dma_start3A_221 : memref<1x64xf32, #tpu.memory_space<vmem>> -> memref<64xf32, #tpu.memory_space<vmem>>
        %dma_start3A_223 = arith.constant 0 : i32
        %dma_start3A_224 = tpu.memref_slice %arg3[%squeeze3A_215, %dma_start3A_223] : memref<1000000x64xf32, #tpu.memory_space<hbm>> -> memref<1x64xf32, #tpu.memory_space<hbm>>
        %dma_start3A_225 = tpu.memref_squeeze %dma_start3A_224 : memref<1x64xf32, #tpu.memory_space<hbm>> -> memref<64xf32, #tpu.memory_space<hbm>>
        %dma_start3A_226 = arith.constant 0 : i32
        %dma_start3A_227 = tpu.memref_slice %arg6[%add3A_219, %dma_start3A_226] : memref<640x64xf32, #tpu.memory_space<vmem>> -> memref<1x64xf32, #tpu.memory_space<vmem>>
        %dma_start3A_228 = tpu.memref_squeeze %dma_start3A_227 : memref<1x64xf32, #tpu.memory_space<vmem>> -> memref<64xf32, #tpu.memory_space<vmem>>
        %dma_start3A_229 = arith.constant 0 : i32
        %dma_start3A_230 = tpu.memref_slice %arg3[%squeeze3A_215, %dma_start3A_229] : memref<1000000x64xf32, #tpu.memory_space<hbm>> -> memref<1x64xf32, #tpu.memory_space<hbm>>
        %dma_start3A_231 = tpu.memref_squeeze %dma_start3A_230 : memref<1x64xf32, #tpu.memory_space<hbm>> -> memref<64xf32, #tpu.memory_space<hbm>>
        tpu.enqueue_dma source(%dma_start3A_231 : memref<64xf32, #tpu.memory_space<hbm>>) target(%dma_start3A_228 : memref<64xf32, #tpu.memory_space<vmem>>) target_semaphore(%arg7 : memref<!tpu.dma_semaphore, #tpu.memory_space<semaphore_mem>>)
        %slice3A_232 = vector.extract_strided_slice %get3A_36 {offsets = [11], sizes = [1], strides = [1]} : vector<16xi32> to vector<1xi32>
        %squeeze3A_233 = vector.extract %slice3A_232[0] : i32 from vector<1xi32>
        %mul3A_234 = arith.constant 16 : i32
        %mul3A_235 = arith.muli %scan3A_31, %mul3A_234 : i32
        %add3A_236 = arith.constant 11 : i32
        %add3A_237 = arith.addi %mul3A_235, %add3A_236 : i32
        %dma_start3A_238 = arith.constant 0 : i32
        %dma_start3A_239 = tpu.memref_slice %arg6[%add3A_237, %dma_start3A_238] : memref<640x64xf32, #tpu.memory_space<vmem>> -> memref<1x64xf32, #tpu.memory_space<vmem>>
        %dma_start3A_240 = tpu.memref_squeeze %dma_start3A_239 : memref<1x64xf32, #tpu.memory_space<vmem>> -> memref<64xf32, #tpu.memory_space<vmem>>
        %dma_start3A_241 = arith.constant 0 : i32
        %dma_start3A_242 = tpu.memref_slice %arg3[%squeeze3A_233, %dma_start3A_241] : memref<1000000x64xf32, #tpu.memory_space<hbm>> -> memref<1x64xf32, #tpu.memory_space<hbm>>
        %dma_start3A_243 = tpu.memref_squeeze %dma_start3A_242 : memref<1x64xf32, #tpu.memory_space<hbm>> -> memref<64xf32, #tpu.memory_space<hbm>>
        %dma_start3A_244 = arith.constant 0 : i32
        %dma_start3A_245 = tpu.memref_slice %arg6[%add3A_237, %dma_start3A_244] : memref<640x64xf32, #tpu.memory_space<vmem>> -> memref<1x64xf32, #tpu.memory_space<vmem>>
        %dma_start3A_246 = tpu.memref_squeeze %dma_start3A_245 : memref<1x64xf32, #tpu.memory_space<vmem>> -> memref<64xf32, #tpu.memory_space<vmem>>
        %dma_start3A_247 = arith.constant 0 : i32
        %dma_start3A_248 = tpu.memref_slice %arg3[%squeeze3A_233, %dma_start3A_247] : memref<1000000x64xf32, #tpu.memory_space<hbm>> -> memref<1x64xf32, #tpu.memory_space<hbm>>
        %dma_start3A_249 = tpu.memref_squeeze %dma_start3A_248 : memref<1x64xf32, #tpu.memory_space<hbm>> -> memref<64xf32, #tpu.memory_space<hbm>>
        tpu.enqueue_dma source(%dma_start3A_249 : memref<64xf32, #tpu.memory_space<hbm>>) target(%dma_start3A_246 : memref<64xf32, #tpu.memory_space<vmem>>) target_semaphore(%arg7 : memref<!tpu.dma_semaphore, #tpu.memory_space<semaphore_mem>>)
        %slice3A_250 = vector.extract_strided_slice %get3A_36 {offsets = [12], sizes = [1], strides = [1]} : vector<16xi32> to vector<1xi32>
        %squeeze3A_251 = vector.extract %slice3A_250[0] : i32 from vector<1xi32>
        %mul3A_252 = arith.constant 16 : i32
        %mul3A_253 = arith.muli %scan3A_31, %mul3A_252 : i32
        %add3A_254 = arith.constant 12 : i32
        %add3A_255 = arith.addi %mul3A_253, %add3A_254 : i32
        %dma_start3A_256 = arith.constant 0 : i32
        %dma_start3A_257 = tpu.memref_slice %arg6[%add3A_255, %dma_start3A_256] : memref<640x64xf32, #tpu.memory_space<vmem>> -> memref<1x64xf32, #tpu.memory_space<vmem>>
        %dma_start3A_258 = tpu.memref_squeeze %dma_start3A_257 : memref<1x64xf32, #tpu.memory_space<vmem>> -> memref<64xf32, #tpu.memory_space<vmem>>
        %dma_start3A_259 = arith.constant 0 : i32
        %dma_start3A_260 = tpu.memref_slice %arg3[%squeeze3A_251, %dma_start3A_259] : memref<1000000x64xf32, #tpu.memory_space<hbm>> -> memref<1x64xf32, #tpu.memory_space<hbm>>
        %dma_start3A_261 = tpu.memref_squeeze %dma_start3A_260 : memref<1x64xf32, #tpu.memory_space<hbm>> -> memref<64xf32, #tpu.memory_space<hbm>>
        %dma_start3A_262 = arith.constant 0 : i32
        %dma_start3A_263 = tpu.memref_slice %arg6[%add3A_255, %dma_start3A_262] : memref<640x64xf32, #tpu.memory_space<vmem>> -> memref<1x64xf32, #tpu.memory_space<vmem>>
        %dma_start3A_264 = tpu.memref_squeeze %dma_start3A_263 : memref<1x64xf32, #tpu.memory_space<vmem>> -> memref<64xf32, #tpu.memory_space<vmem>>
        %dma_start3A_265 = arith.constant 0 : i32
        %dma_start3A_266 = tpu.memref_slice %arg3[%squeeze3A_251, %dma_start3A_265] : memref<1000000x64xf32, #tpu.memory_space<hbm>> -> memref<1x64xf32, #tpu.memory_space<hbm>>
        %dma_start3A_267 = tpu.memref_squeeze %dma_start3A_266 : memref<1x64xf32, #tpu.memory_space<hbm>> -> memref<64xf32, #tpu.memory_space<hbm>>
        tpu.enqueue_dma source(%dma_start3A_267 : memref<64xf32, #tpu.memory_space<hbm>>) target(%dma_start3A_264 : memref<64xf32, #tpu.memory_space<vmem>>) target_semaphore(%arg7 : memref<!tpu.dma_semaphore, #tpu.memory_space<semaphore_mem>>)
        %slice3A_268 = vector.extract_strided_slice %get3A_36 {offsets = [13], sizes = [1], strides = [1]} : vector<16xi32> to vector<1xi32>
        %squeeze3A_269 = vector.extract %slice3A_268[0] : i32 from vector<1xi32>
        %mul3A_270 = arith.constant 16 : i32
        %mul3A_271 = arith.muli %scan3A_31, %mul3A_270 : i32
        %add3A_272 = arith.constant 13 : i32
        %add3A_273 = arith.addi %mul3A_271, %add3A_272 : i32
        %dma_start3A_274 = arith.constant 0 : i32
        %dma_start3A_275 = tpu.memref_slice %arg6[%add3A_273, %dma_start3A_274] : memref<640x64xf32, #tpu.memory_space<vmem>> -> memref<1x64xf32, #tpu.memory_space<vmem>>
        %dma_start3A_276 = tpu.memref_squeeze %dma_start3A_275 : memref<1x64xf32, #tpu.memory_space<vmem>> -> memref<64xf32, #tpu.memory_space<vmem>>
        %dma_start3A_277 = arith.constant 0 : i32
        %dma_start3A_278 = tpu.memref_slice %arg3[%squeeze3A_269, %dma_start3A_277] : memref<1000000x64xf32, #tpu.memory_space<hbm>> -> memref<1x64xf32, #tpu.memory_space<hbm>>
        %dma_start3A_279 = tpu.memref_squeeze %dma_start3A_278 : memref<1x64xf32, #tpu.memory_space<hbm>> -> memref<64xf32, #tpu.memory_space<hbm>>
        %dma_start3A_280 = arith.constant 0 : i32
        %dma_start3A_281 = tpu.memref_slice %arg6[%add3A_273, %dma_start3A_280] : memref<640x64xf32, #tpu.memory_space<vmem>> -> memref<1x64xf32, #tpu.memory_space<vmem>>
        %dma_start3A_282 = tpu.memref_squeeze %dma_start3A_281 : memref<1x64xf32, #tpu.memory_space<vmem>> -> memref<64xf32, #tpu.memory_space<vmem>>
        %dma_start3A_283 = arith.constant 0 : i32
        %dma_start3A_284 = tpu.memref_slice %arg3[%squeeze3A_269, %dma_start3A_283] : memref<1000000x64xf32, #tpu.memory_space<hbm>> -> memref<1x64xf32, #tpu.memory_space<hbm>>
        %dma_start3A_285 = tpu.memref_squeeze %dma_start3A_284 : memref<1x64xf32, #tpu.memory_space<hbm>> -> memref<64xf32, #tpu.memory_space<hbm>>
        tpu.enqueue_dma source(%dma_start3A_285 : memref<64xf32, #tpu.memory_space<hbm>>) target(%dma_start3A_282 : memref<64xf32, #tpu.memory_space<vmem>>) target_semaphore(%arg7 : memref<!tpu.dma_semaphore, #tpu.memory_space<semaphore_mem>>)
        %slice3A_286 = vector.extract_strided_slice %get3A_36 {offsets = [14], sizes = [1], strides = [1]} : vector<16xi32> to vector<1xi32>
        %squeeze3A_287 = vector.extract %slice3A_286[0] : i32 from vector<1xi32>
        %mul3A_288 = arith.constant 16 : i32
        %mul3A_289 = arith.muli %scan3A_31, %mul3A_288 : i32
        %add3A_290 = arith.constant 14 : i32
        %add3A_291 = arith.addi %mul3A_289, %add3A_290 : i32
        %dma_start3A_292 = arith.constant 0 : i32
        %dma_start3A_293 = tpu.memref_slice %arg6[%add3A_291, %dma_start3A_292] : memref<640x64xf32, #tpu.memory_space<vmem>> -> memref<1x64xf32, #tpu.memory_space<vmem>>
        %dma_start3A_294 = tpu.memref_squeeze %dma_start3A_293 : memref<1x64xf32, #tpu.memory_space<vmem>> -> memref<64xf32, #tpu.memory_space<vmem>>
        %dma_start3A_295 = arith.constant 0 : i32
        %dma_start3A_296 = tpu.memref_slice %arg3[%squeeze3A_287, %dma_start3A_295] : memref<1000000x64xf32, #tpu.memory_space<hbm>> -> memref<1x64xf32, #tpu.memory_space<hbm>>
        %dma_start3A_297 = tpu.memref_squeeze %dma_start3A_296 : memref<1x64xf32, #tpu.memory_space<hbm>> -> memref<64xf32, #tpu.memory_space<hbm>>
        %dma_start3A_298 = arith.constant 0 : i32
        %dma_start3A_299 = tpu.memref_slice %arg6[%add3A_291, %dma_start3A_298] : memref<640x64xf32, #tpu.memory_space<vmem>> -> memref<1x64xf32, #tpu.memory_space<vmem>>
        %dma_start3A_300 = tpu.memref_squeeze %dma_start3A_299 : memref<1x64xf32, #tpu.memory_space<vmem>> -> memref<64xf32, #tpu.memory_space<vmem>>
        %dma_start3A_301 = arith.constant 0 : i32
        %dma_start3A_302 = tpu.memref_slice %arg3[%squeeze3A_287, %dma_start3A_301] : memref<1000000x64xf32, #tpu.memory_space<hbm>> -> memref<1x64xf32, #tpu.memory_space<hbm>>
        %dma_start3A_303 = tpu.memref_squeeze %dma_start3A_302 : memref<1x64xf32, #tpu.memory_space<hbm>> -> memref<64xf32, #tpu.memory_space<hbm>>
        tpu.enqueue_dma source(%dma_start3A_303 : memref<64xf32, #tpu.memory_space<hbm>>) target(%dma_start3A_300 : memref<64xf32, #tpu.memory_space<vmem>>) target_semaphore(%arg7 : memref<!tpu.dma_semaphore, #tpu.memory_space<semaphore_mem>>)
        %slice3A_304 = vector.extract_strided_slice %get3A_36 {offsets = [15], sizes = [1], strides = [1]} : vector<16xi32> to vector<1xi32>
        %squeeze3A_305 = vector.extract %slice3A_304[0] : i32 from vector<1xi32>
        %mul3A_306 = arith.constant 16 : i32
        %mul3A_307 = arith.muli %scan3A_31, %mul3A_306 : i32
        %add3A_308 = arith.constant 15 : i32
        %add3A_309 = arith.addi %mul3A_307, %add3A_308 : i32
        %dma_start3A_310 = arith.constant 0 : i32
        %dma_start3A_311 = tpu.memref_slice %arg6[%add3A_309, %dma_start3A_310] : memref<640x64xf32, #tpu.memory_space<vmem>> -> memref<1x64xf32, #tpu.memory_space<vmem>>
        %dma_start3A_312 = tpu.memref_squeeze %dma_start3A_311 : memref<1x64xf32, #tpu.memory_space<vmem>> -> memref<64xf32, #tpu.memory_space<vmem>>
        %dma_start3A_313 = arith.constant 0 : i32
        %dma_start3A_314 = tpu.memref_slice %arg3[%squeeze3A_305, %dma_start3A_313] : memref<1000000x64xf32, #tpu.memory_space<hbm>> -> memref<1x64xf32, #tpu.memory_space<hbm>>
        %dma_start3A_315 = tpu.memref_squeeze %dma_start3A_314 : memref<1x64xf32, #tpu.memory_space<hbm>> -> memref<64xf32, #tpu.memory_space<hbm>>
        %dma_start3A_316 = arith.constant 0 : i32
        %dma_start3A_317 = tpu.memref_slice %arg6[%add3A_309, %dma_start3A_316] : memref<640x64xf32, #tpu.memory_space<vmem>> -> memref<1x64xf32, #tpu.memory_space<vmem>>
        %dma_start3A_318 = tpu.memref_squeeze %dma_start3A_317 : memref<1x64xf32, #tpu.memory_space<vmem>> -> memref<64xf32, #tpu.memory_space<vmem>>
        %dma_start3A_319 = arith.constant 0 : i32
        %dma_start3A_320 = tpu.memref_slice %arg3[%squeeze3A_305, %dma_start3A_319] : memref<1000000x64xf32, #tpu.memory_space<hbm>> -> memref<1x64xf32, #tpu.memory_space<hbm>>
        %dma_start3A_321 = tpu.memref_squeeze %dma_start3A_320 : memref<1x64xf32, #tpu.memory_space<hbm>> -> memref<64xf32, #tpu.memory_space<hbm>>
        tpu.enqueue_dma source(%dma_start3A_321 : memref<64xf32, #tpu.memory_space<hbm>>) target(%dma_start3A_318 : memref<64xf32, #tpu.memory_space<vmem>>) target_semaphore(%arg7 : memref<!tpu.dma_semaphore, #tpu.memory_space<semaphore_mem>>)
      }
      %scan3A_16 = arith.constant 40 : i32
      %dma_wait3A = arith.constant 0 : i32
      %dma_wait3A_17 = arith.constant 0 : i32
      %dma_wait3A_18 = tpu.memref_slice %arg3[%dma_wait3A, %dma_wait3A_17] : memref<1000000x64xf32, #tpu.memory_space<hbm>> -> memref<640x64xf32, #tpu.memory_space<hbm>>
      %dma_wait3A_19 = arith.constant 0 : i32
      %dma_wait3A_20 = arith.constant 0 : i32
      %dma_wait3A_21 = tpu.memref_slice %arg3[%dma_wait3A_19, %dma_wait3A_20] : memref<1000000x64xf32, #tpu.memory_space<hbm>> -> memref<640x64xf32, #tpu.memory_space<hbm>>
      tpu.wait_dma2 semaphore(%arg7 : memref<!tpu.dma_semaphore, #tpu.memory_space<semaphore_mem>>) src(%dma_wait3A_21 : memref<640x64xf32, #tpu.memory_space<hbm>>) dst(%arg6 : memref<640x64xf32, #tpu.memory_space<vmem>>)
      %scan3A_22 = arith.constant 0 : i32
      %scan3A_23 = arith.constant 0 : i32
      %scan3A_24 = arith.constant 40 : i32
      %scan3A_25 = arith.addi %scan3A_23, %scan3A_24 : i32
      %scan3A_26 = arith.constant 1 : i32
      scf.for %scan3A_31 = %scan3A_23 to %scan3A_25 step %scan3A_26  : i32 {
        %mul3A_32 = arith.constant 16 : i32
        %mul3A_33 = arith.muli %scan3A_31, %mul3A_32 : i32
        %add3A_34 = arith.addi %mul3A_10, %mul3A_33 : i32
        %get3A = arith.index_cast %add3A_34 : i32 to index
        %get3A_35 = tpu.vector_load %arg5[%get3A] {strides = array<i32>} : memref<6400xi32, #tpu.memory_space<vmem>>, vector<16xi32>,
        %get3A_36 = vector.shape_cast %get3A_35 : vector<16xi32> to vector<16xi32>
        %eq3A = arith.constant 0 : i32
        %eq3A_37 = vector.broadcast %eq3A : i32 to vector<16xi32>
        %eq3A_38 = arith.cmpi eq, %get3A_36, %eq3A_37 : vector<16xi32>
        %jit3A = arith.constant 0.000000e+00 : f32
        %jit3A_39 = arith.constant 8.000000e+00 : f32
        %broadcast_in_dim3A = vector.broadcast %jit3A : f32 to vector<16xf32>
        %broadcast_in_dim3A_40 = vector.broadcast %jit3A_39 : f32 to vector<16xf32>
        %select_n3A = arith.select %eq3A_38, %broadcast_in_dim3A, %broadcast_in_dim3A_40 : vector<16xi1>, vector<16xf32>
        %slice3A = vector.extract_strided_slice %select_n3A {offsets = [0], sizes = [1], strides = [1]} : vector<16xf32> to vector<1xf32>
        %squeeze3A = vector.extract %slice3A[0] : f32 from vector<1xf32>
        %broadcast_in_dim3A_41 = vector.broadcast %squeeze3A : f32 to vector<16xf32>
        %mul3A_42 = arith.constant 16 : i32
        %mul3A_43 = arith.muli %scan3A_31, %mul3A_42 : i32
        %add3A_44 = arith.constant 0 : i32
        %add3A_45 = arith.addi %mul3A_43, %add3A_44 : i32
        %get3A_46 = arith.index_cast %add3A_45 : i32 to index
        %get3A_47 = arith.constant 0 : index
        %get3A_48 = tpu.vector_load %arg6[%get3A_46, %get3A_47] {strides = array<i32>} : memref<640x64xf32, #tpu.memory_space<vmem>>, vector<1x16xf32>,
        %get3A_49 = vector.shape_cast %get3A_48 : vector<1x16xf32> to vector<16xf32>
        %mul3A_50 = arith.mulf %get3A_49, %broadcast_in_dim3A_41 : vector<16xf32>
        %swap3A = arith.index_cast %add3A_45 : i32 to index
        %swap3A_51 = arith.constant 0 : index
        %swap3A_52 = tpu.vector_load %arg6[%swap3A, %swap3A_51] {strides = array<i32>} : memref<640x64xf32, #tpu.memory_space<vmem>>, vector<1x16xf32>,
        %swap3A_53 = vector.shape_cast %swap3A_52 : vector<1x16xf32> to vector<16xf32>
        %swap3A_54 = vector.shape_cast %mul3A_50 : vector<16xf32> to vector<1x16xf32>
        tpu.vector_store %arg6[%swap3A, %swap3A_51], %swap3A_54 {strides = array<i32>} : memref<640x64xf32, #tpu.memory_space<vmem>>, vector<1x16xf32>,
        %get3A_55 = arith.index_cast %add3A_45 : i32 to index
        %get3A_56 = arith.constant 16 : index
        %get3A_57 = tpu.vector_load %arg6[%get3A_55, %get3A_56] {strides = array<i32>} : memref<640x64xf32, #tpu.memory_space<vmem>>, vector<1x16xf32>,
        %get3A_58 = vector.shape_cast %get3A_57 : vector<1x16xf32> to vector<16xf32>
        %mul3A_59 = arith.mulf %get3A_58, %broadcast_in_dim3A_41 : vector<16xf32>
        %swap3A_60 = arith.index_cast %add3A_45 : i32 to index
        %swap3A_61 = arith.constant 16 : index
        %swap3A_62 = tpu.vector_load %arg6[%swap3A_60, %swap3A_61] {strides = array<i32>} : memref<640x64xf32, #tpu.memory_space<vmem>>, vector<1x16xf32>,
        %swap3A_63 = vector.shape_cast %swap3A_62 : vector<1x16xf32> to vector<16xf32>
        %swap3A_64 = vector.shape_cast %mul3A_59 : vector<16xf32> to vector<1x16xf32>
        tpu.vector_store %arg6[%swap3A_60, %swap3A_61], %swap3A_64 {strides = array<i32>} : memref<640x64xf32, #tpu.memory_space<vmem>>, vector<1x16xf32>,
        %get3A_65 = arith.index_cast %add3A_45 : i32 to index
        %get3A_66 = arith.constant 32 : index
        %get3A_67 = tpu.vector_load %arg6[%get3A_65, %get3A_66] {strides = array<i32>} : memref<640x64xf32, #tpu.memory_space<vmem>>, vector<1x16xf32>,
        %get3A_68 = vector.shape_cast %get3A_67 : vector<1x16xf32> to vector<16xf32>
        %mul3A_69 = arith.mulf %get3A_68, %broadcast_in_dim3A_41 : vector<16xf32>
        %swap3A_70 = arith.index_cast %add3A_45 : i32 to index
        %swap3A_71 = arith.constant 32 : index
        %swap3A_72 = tpu.vector_load %arg6[%swap3A_70, %swap3A_71] {strides = array<i32>} : memref<640x64xf32, #tpu.memory_space<vmem>>, vector<1x16xf32>,
        %swap3A_73 = vector.shape_cast %swap3A_72 : vector<1x16xf32> to vector<16xf32>
        %swap3A_74 = vector.shape_cast %mul3A_69 : vector<16xf32> to vector<1x16xf32>
        tpu.vector_store %arg6[%swap3A_70, %swap3A_71], %swap3A_74 {strides = array<i32>} : memref<640x64xf32, #tpu.memory_space<vmem>>, vector<1x16xf32>,
        %get3A_75 = arith.index_cast %add3A_45 : i32 to index
        %get3A_76 = arith.constant 48 : index
        %get3A_77 = tpu.vector_load %arg6[%get3A_75, %get3A_76] {strides = array<i32>} : memref<640x64xf32, #tpu.memory_space<vmem>>, vector<1x16xf32>,
        %get3A_78 = vector.shape_cast %get3A_77 : vector<1x16xf32> to vector<16xf32>
        %mul3A_79 = arith.mulf %get3A_78, %broadcast_in_dim3A_41 : vector<16xf32>
        %swap3A_80 = arith.index_cast %add3A_45 : i32 to index
        %swap3A_81 = arith.constant 48 : index
        %swap3A_82 = tpu.vector_load %arg6[%swap3A_80, %swap3A_81] {strides = array<i32>} : memref<640x64xf32, #tpu.memory_space<vmem>>, vector<1x16xf32>,
        %swap3A_83 = vector.shape_cast %swap3A_82 : vector<1x16xf32> to vector<16xf32>
        %swap3A_84 = vector.shape_cast %mul3A_79 : vector<16xf32> to vector<1x16xf32>
        tpu.vector_store %arg6[%swap3A_80, %swap3A_81], %swap3A_84 {strides = array<i32>} : memref<640x64xf32, #tpu.memory_space<vmem>>, vector<1x16xf32>,
        %slice3A_85 = vector.extract_strided_slice %select_n3A {offsets = [1], sizes = [1], strides = [1]} : vector<16xf32> to vector<1xf32>
        %squeeze3A_86 = vector.extract %slice3A_85[0] : f32 from vector<1xf32>
        %broadcast_in_dim3A_87 = vector.broadcast %squeeze3A_86 : f32 to vector<16xf32>
        %mul3A_88 = arith.constant 16 : i32
        %mul3A_89 = arith.muli %scan3A_31, %mul3A_88 : i32
        %add3A_90 = arith.constant 1 : i32
        %add3A_91 = arith.addi %mul3A_89, %add3A_90 : i32
        %get3A_92 = arith.index_cast %add3A_91 : i32 to index
        %get3A_93 = arith.constant 0 : index
        %get3A_94 = tpu.vector_load %arg6[%get3A_92, %get3A_93] {strides = array<i32>} : memref<640x64xf32, #tpu.memory_space<vmem>>, vector<1x16xf32>,
        %get3A_95 = vector.shape_cast %get3A_94 : vector<1x16xf32> to vector<16xf32>
        %mul3A_96 = arith.mulf %get3A_95, %broadcast_in_dim3A_87 : vector<16xf32>
        %swap3A_97 = arith.index_cast %add3A_91 : i32 to index
        %swap3A_98 = arith.constant 0 : index
        %swap3A_99 = tpu.vector_load %arg6[%swap3A_97, %swap3A_98] {strides = array<i32>} : memref<640x64xf32, #tpu.memory_space<vmem>>, vector<1x16xf32>,
        %swap3A_100 = vector.shape_cast %swap3A_99 : vector<1x16xf32> to vector<16xf32>
        %swap3A_101 = vector.shape_cast %mul3A_96 : vector<16xf32> to vector<1x16xf32>
        tpu.vector_store %arg6[%swap3A_97, %swap3A_98], %swap3A_101 {strides = array<i32>} : memref<640x64xf32, #tpu.memory_space<vmem>>, vector<1x16xf32>,
        %get3A_102 = arith.index_cast %add3A_91 : i32 to index
        %get3A_103 = arith.constant 16 : index
        %get3A_104 = tpu.vector_load %arg6[%get3A_102, %get3A_103] {strides = array<i32>} : memref<640x64xf32, #tpu.memory_space<vmem>>, vector<1x16xf32>,
        %get3A_105 = vector.shape_cast %get3A_104 : vector<1x16xf32> to vector<16xf32>
        %mul3A_106 = arith.mulf %get3A_105, %broadcast_in_dim3A_87 : vector<16xf32>
        %swap3A_107 = arith.index_cast %add3A_91 : i32 to index
        %swap3A_108 = arith.constant 16 : index
        %swap3A_109 = tpu.vector_load %arg6[%swap3A_107, %swap3A_108] {strides = array<i32>} : memref<640x64xf32, #tpu.memory_space<vmem>>, vector<1x16xf32>,
        %swap3A_110 = vector.shape_cast %swap3A_109 : vector<1x16xf32> to vector<16xf32>
        %swap3A_111 = vector.shape_cast %mul3A_106 : vector<16xf32> to vector<1x16xf32>
        tpu.vector_store %arg6[%swap3A_107, %swap3A_108], %swap3A_111 {strides = array<i32>} : memref<640x64xf32, #tpu.memory_space<vmem>>, vector<1x16xf32>,
        %get3A_112 = arith.index_cast %add3A_91 : i32 to index
        %get3A_113 = arith.constant 32 : index
        %get3A_114 = tpu.vector_load %arg6[%get3A_112, %get3A_113] {strides = array<i32>} : memref<640x64xf32, #tpu.memory_space<vmem>>, vector<1x16xf32>,
        %get3A_115 = vector.shape_cast %get3A_114 : vector<1x16xf32> to vector<16xf32>
        %mul3A_116 = arith.mulf %get3A_115, %broadcast_in_dim3A_87 : vector<16xf32>
        %swap3A_117 = arith.index_cast %add3A_91 : i32 to index
        %swap3A_118 = arith.constant 32 : index
        %swap3A_119 = tpu.vector_load %arg6[%swap3A_117, %swap3A_118] {strides = array<i32>} : memref<640x64xf32, #tpu.memory_space<vmem>>, vector<1x16xf32>,
        %swap3A_120 = vector.shape_cast %swap3A_119 : vector<1x16xf32> to vector<16xf32>
        %swap3A_121 = vector.shape_cast %mul3A_116 : vector<16xf32> to vector<1x16xf32>
        tpu.vector_store %arg6[%swap3A_117, %swap3A_118], %swap3A_121 {strides = array<i32>} : memref<640x64xf32, #tpu.memory_space<vmem>>, vector<1x16xf32>,
        %get3A_122 = arith.index_cast %add3A_91 : i32 to index
        %get3A_123 = arith.constant 48 : index
        %get3A_124 = tpu.vector_load %arg6[%get3A_122, %get3A_123] {strides = array<i32>} : memref<640x64xf32, #tpu.memory_space<vmem>>, vector<1x16xf32>,
        %get3A_125 = vector.shape_cast %get3A_124 : vector<1x16xf32> to vector<16xf32>
        %mul3A_126 = arith.mulf %get3A_125, %broadcast_in_dim3A_87 : vector<16xf32>
        %swap3A_127 = arith.index_cast %add3A_91 : i32 to index
        %swap3A_128 = arith.constant 48 : index
        %swap3A_129 = tpu.vector_load %arg6[%swap3A_127, %swap3A_128] {strides = array<i32>} : memref<640x64xf32, #tpu.memory_space<vmem>>, vector<1x16xf32>,
        %swap3A_130 = vector.shape_cast %swap3A_129 : vector<1x16xf32> to vector<16xf32>
        %swap3A_131 = vector.shape_cast %mul3A_126 : vector<16xf32> to vector<1x16xf32>
        tpu.vector_store %arg6[%swap3A_127, %swap3A_128], %swap3A_131 {strides = array<i32>} : memref<640x64xf32, #tpu.memory_space<vmem>>, vector<1x16xf32>,
        %slice3A_132 = vector.extract_strided_slice %select_n3A {offsets = [2], sizes = [1], strides = [1]} : vector<16xf32> to vector<1xf32>
        %squeeze3A_133 = vector.extract %slice3A_132[0] : f32 from vector<1xf32>
        %broadcast_in_dim3A_134 = vector.broadcast %squeeze3A_133 : f32 to vector<16xf32>
        %mul3A_135 = arith.constant 16 : i32
        %mul3A_136 = arith.muli %scan3A_31, %mul3A_135 : i32
        %add3A_137 = arith.constant 2 : i32
        %add3A_138 = arith.addi %mul3A_136, %add3A_137 : i32
        %get3A_139 = arith.index_cast %add3A_138 : i32 to index
        %get3A_140 = arith.constant 0 : index
        %get3A_141 = tpu.vector_load %arg6[%get3A_139, %get3A_140] {strides = array<i32>} : memref<640x64xf32, #tpu.memory_space<vmem>>, vector<1x16xf32>,
        %get3A_142 = vector.shape_cast %get3A_141 : vector<1x16xf32> to vector<16xf32>
        %mul3A_143 = arith.mulf %get3A_142, %broadcast_in_dim3A_134 : vector<16xf32>
        %swap3A_144 = arith.index_cast %add3A_138 : i32 to index
        %swap3A_145 = arith.constant 0 : index
        %swap3A_146 = tpu.vector_load %arg6[%swap3A_144, %swap3A_145] {strides = array<i32>} : memref<640x64xf32, #tpu.memory_space<vmem>>, vector<1x16xf32>,
        %swap3A_147 = vector.shape_cast %swap3A_146 : vector<1x16xf32> to vector<16xf32>
        %swap3A_148 = vector.shape_cast %mul3A_143 : vector<16xf32> to vector<1x16xf32>
        tpu.vector_store %arg6[%swap3A_144, %swap3A_145], %swap3A_148 {strides = array<i32>} : memref<640x64xf32, #tpu.memory_space<vmem>>, vector<1x16xf32>,
        %get3A_149 = arith.index_cast %add3A_138 : i32 to index
        %get3A_150 = arith.constant 16 : index
        %get3A_151 = tpu.vector_load %arg6[%get3A_149, %get3A_150] {strides = array<i32>} : memref<640x64xf32, #tpu.memory_space<vmem>>, vector<1x16xf32>,
        %get3A_152 = vector.shape_cast %get3A_151 : vector<1x16xf32> to vector<16xf32>
        %mul3A_153 = arith.mulf %get3A_152, %broadcast_in_dim3A_134 : vector<16xf32>
        %swap3A_154 = arith.index_cast %add3A_138 : i32 to index
        %swap3A_155 = arith.constant 16 : index
        %swap3A_156 = tpu.vector_load %arg6[%swap3A_154, %swap3A_155] {strides = array<i32>} : memref<640x64xf32, #tpu.memory_space<vmem>>, vector<1x16xf32>,
        %swap3A_157 = vector.shape_cast %swap3A_156 : vector<1x16xf32> to vector<16xf32>
        %swap3A_158 = vector.shape_cast %mul3A_153 : vector<16xf32> to vector<1x16xf32>
        tpu.vector_store %arg6[%swap3A_154, %swap3A_155], %swap3A_158 {strides = array<i32>} : memref<640x64xf32, #tpu.memory_space<vmem>>, vector<1x16xf32>,
        %get3A_159 = arith.index_cast %add3A_138 : i32 to index
        %get3A_160 = arith.constant 32 : index
        %get3A_161 = tpu.vector_load %arg6[%get3A_159, %get3A_160] {strides = array<i32>} : memref<640x64xf32, #tpu.memory_space<vmem>>, vector<1x16xf32>,
        %get3A_162 = vector.shape_cast %get3A_161 : vector<1x16xf32> to vector<16xf32>
        %mul3A_163 = arith.mulf %get3A_162, %broadcast_in_dim3A_134 : vector<16xf32>
        %swap3A_164 = arith.index_cast %add3A_138 : i32 to index
        %swap3A_165 = arith.constant 32 : index
        %swap3A_166 = tpu.vector_load %arg6[%swap3A_164, %swap3A_165] {strides = array<i32>} : memref<640x64xf32, #tpu.memory_space<vmem>>, vector<1x16xf32>,
        %swap3A_167 = vector.shape_cast %swap3A_166 : vector<1x16xf32> to vector<16xf32>
        %swap3A_168 = vector.shape_cast %mul3A_163 : vector<16xf32> to vector<1x16xf32>
        tpu.vector_store %arg6[%swap3A_164, %swap3A_165], %swap3A_168 {strides = array<i32>} : memref<640x64xf32, #tpu.memory_space<vmem>>, vector<1x16xf32>,
        %get3A_169 = arith.index_cast %add3A_138 : i32 to index
        %get3A_170 = arith.constant 48 : index
        %get3A_171 = tpu.vector_load %arg6[%get3A_169, %get3A_170] {strides = array<i32>} : memref<640x64xf32, #tpu.memory_space<vmem>>, vector<1x16xf32>,
        %get3A_172 = vector.shape_cast %get3A_171 : vector<1x16xf32> to vector<16xf32>
        %mul3A_173 = arith.mulf %get3A_172, %broadcast_in_dim3A_134 : vector<16xf32>
        %swap3A_174 = arith.index_cast %add3A_138 : i32 to index
        %swap3A_175 = arith.constant 48 : index
        %swap3A_176 = tpu.vector_load %arg6[%swap3A_174, %swap3A_175] {strides = array<i32>} : memref<640x64xf32, #tpu.memory_space<vmem>>, vector<1x16xf32>,
        %swap3A_177 = vector.shape_cast %swap3A_176 : vector<1x16xf32> to vector<16xf32>
        %swap3A_178 = vector.shape_cast %mul3A_173 : vector<16xf32> to vector<1x16xf32>
        tpu.vector_store %arg6[%swap3A_174, %swap3A_175], %swap3A_178 {strides = array<i32>} : memref<640x64xf32, #tpu.memory_space<vmem>>, vector<1x16xf32>,
        %slice3A_179 = vector.extract_strided_slice %select_n3A {offsets = [3], sizes = [1], strides = [1]} : vector<16xf32> to vector<1xf32>
        %squeeze3A_180 = vector.extract %slice3A_179[0] : f32 from vector<1xf32>
        %broadcast_in_dim3A_181 = vector.broadcast %squeeze3A_180 : f32 to vector<16xf32>
        %mul3A_182 = arith.constant 16 : i32
        %mul3A_183 = arith.muli %scan3A_31, %mul3A_182 : i32
        %add3A_184 = arith.constant 3 : i32
        %add3A_185 = arith.addi %mul3A_183, %add3A_184 : i32
        %get3A_186 = arith.index_cast %add3A_185 : i32 to index
        %get3A_187 = arith.constant 0 : index
        %get3A_188 = tpu.vector_load %arg6[%get3A_186, %get3A_187] {strides = array<i32>} : memref<640x64xf32, #tpu.memory_space<vmem>>, vector<1x16xf32>,
        %get3A_189 = vector.shape_cast %get3A_188 : vector<1x16xf32> to vector<16xf32>
        %mul3A_190 = arith.mulf %get3A_189, %broadcast_in_dim3A_181 : vector<16xf32>
        %swap3A_191 = arith.index_cast %add3A_185 : i32 to index
        %swap3A_192 = arith.constant 0 : index
        %swap3A_193 = tpu.vector_load %arg6[%swap3A_191, %swap3A_192] {strides = array<i32>} : memref<640x64xf32, #tpu.memory_space<vmem>>, vector<1x16xf32>,
        %swap3A_194 = vector.shape_cast %swap3A_193 : vector<1x16xf32> to vector<16xf32>
        %swap3A_195 = vector.shape_cast %mul3A_190 : vector<16xf32> to vector<1x16xf32>
        tpu.vector_store %arg6[%swap3A_191, %swap3A_192], %swap3A_195 {strides = array<i32>} : memref<640x64xf32, #tpu.memory_space<vmem>>, vector<1x16xf32>,
        %get3A_196 = arith.index_cast %add3A_185 : i32 to index
        %get3A_197 = arith.constant 16 : index
        %get3A_198 = tpu.vector_load %arg6[%get3A_196, %get3A_197] {strides = array<i32>} : memref<640x64xf32, #tpu.memory_space<vmem>>, vector<1x16xf32>,
        %get3A_199 = vector.shape_cast %get3A_198 : vector<1x16xf32> to vector<16xf32>
        %mul3A_200 = arith.mulf %get3A_199, %broadcast_in_dim3A_181 : vector<16xf32>
        %swap3A_201 = arith.index_cast %add3A_185 : i32 to index
        %swap3A_202 = arith.constant 16 : index
        %swap3A_203 = tpu.vector_load %arg6[%swap3A_201, %swap3A_202] {strides = array<i32>} : memref<640x64xf32, #tpu.memory_space<vmem>>, vector<1x16xf32>,
        %swap3A_204 = vector.shape_cast %swap3A_203 : vector<1x16xf32> to vector<16xf32>
        %swap3A_205 = vector.shape_cast %mul3A_200 : vector<16xf32> to vector<1x16xf32>
        tpu.vector_store %arg6[%swap3A_201, %swap3A_202], %swap3A_205 {strides = array<i32>} : memref<640x64xf32, #tpu.memory_space<vmem>>, vector<1x16xf32>,
        %get3A_206 = arith.index_cast %add3A_185 : i32 to index
        %get3A_207 = arith.constant 32 : index
        %get3A_208 = tpu.vector_load %arg6[%get3A_206, %get3A_207] {strides = array<i32>} : memref<640x64xf32, #tpu.memory_space<vmem>>, vector<1x16xf32>,
        %get3A_209 = vector.shape_cast %get3A_208 : vector<1x16xf32> to vector<16xf32>
        %mul3A_210 = arith.mulf %get3A_209, %broadcast_in_dim3A_181 : vector<16xf32>
        %swap3A_211 = arith.index_cast %add3A_185 : i32 to index
        %swap3A_212 = arith.constant 32 : index
        %swap3A_213 = tpu.vector_load %arg6[%swap3A_211, %swap3A_212] {strides = array<i32>} : memref<640x64xf32, #tpu.memory_space<vmem>>, vector<1x16xf32>,
        %swap3A_214 = vector.shape_cast %swap3A_213 : vector<1x16xf32> to vector<16xf32>
        %swap3A_215 = vector.shape_cast %mul3A_210 : vector<16xf32> to vector<1x16xf32>
        tpu.vector_store %arg6[%swap3A_211, %swap3A_212], %swap3A_215 {strides = array<i32>} : memref<640x64xf32, #tpu.memory_space<vmem>>, vector<1x16xf32>,
        %get3A_216 = arith.index_cast %add3A_185 : i32 to index
        %get3A_217 = arith.constant 48 : index
        %get3A_218 = tpu.vector_load %arg6[%get3A_216, %get3A_217] {strides = array<i32>} : memref<640x64xf32, #tpu.memory_space<vmem>>, vector<1x16xf32>,
        %get3A_219 = vector.shape_cast %get3A_218 : vector<1x16xf32> to vector<16xf32>
        %mul3A_220 = arith.mulf %get3A_219, %broadcast_in_dim3A_181 : vector<16xf32>
        %swap3A_221 = arith.index_cast %add3A_185 : i32 to index
        %swap3A_222 = arith.constant 48 : index
        %swap3A_223 = tpu.vector_load %arg6[%swap3A_221, %swap3A_222] {strides = array<i32>} : memref<640x64xf32, #tpu.memory_space<vmem>>, vector<1x16xf32>,
        %swap3A_224 = vector.shape_cast %swap3A_223 : vector<1x16xf32> to vector<16xf32>
        %swap3A_225 = vector.shape_cast %mul3A_220 : vector<16xf32> to vector<1x16xf32>
        tpu.vector_store %arg6[%swap3A_221, %swap3A_222], %swap3A_225 {strides = array<i32>} : memref<640x64xf32, #tpu.memory_space<vmem>>, vector<1x16xf32>,
        %slice3A_226 = vector.extract_strided_slice %select_n3A {offsets = [4], sizes = [1], strides = [1]} : vector<16xf32> to vector<1xf32>
        %squeeze3A_227 = vector.extract %slice3A_226[0] : f32 from vector<1xf32>
        %broadcast_in_dim3A_228 = vector.broadcast %squeeze3A_227 : f32 to vector<16xf32>
        %mul3A_229 = arith.constant 16 : i32
        %mul3A_230 = arith.muli %scan3A_31, %mul3A_229 : i32
        %add3A_231 = arith.constant 4 : i32
        %add3A_232 = arith.addi %mul3A_230, %add3A_231 : i32
        %get3A_233 = arith.index_cast %add3A_232 : i32 to index
        %get3A_234 = arith.constant 0 : index
        %get3A_235 = tpu.vector_load %arg6[%get3A_233, %get3A_234] {strides = array<i32>} : memref<640x64xf32, #tpu.memory_space<vmem>>, vector<1x16xf32>,
        %get3A_236 = vector.shape_cast %get3A_235 : vector<1x16xf32> to vector<16xf32>
        %mul3A_237 = arith.mulf %get3A_236, %broadcast_in_dim3A_228 : vector<16xf32>
        %swap3A_238 = arith.index_cast %add3A_232 : i32 to index
        %swap3A_239 = arith.constant 0 : index
        %swap3A_240 = tpu.vector_load %arg6[%swap3A_238, %swap3A_239] {strides = array<i32>} : memref<640x64xf32, #tpu.memory_space<vmem>>, vector<1x16xf32>,
        %swap3A_241 = vector.shape_cast %swap3A_240 : vector<1x16xf32> to vector<16xf32>
        %swap3A_242 = vector.shape_cast %mul3A_237 : vector<16xf32> to vector<1x16xf32>
        tpu.vector_store %arg6[%swap3A_238, %swap3A_239], %swap3A_242 {strides = array<i32>} : memref<640x64xf32, #tpu.memory_space<vmem>>, vector<1x16xf32>,
        %get3A_243 = arith.index_cast %add3A_232 : i32 to index
        %get3A_244 = arith.constant 16 : index
        %get3A_245 = tpu.vector_load %arg6[%get3A_243, %get3A_244] {strides = array<i32>} : memref<640x64xf32, #tpu.memory_space<vmem>>, vector<1x16xf32>,
        %get3A_246 = vector.shape_cast %get3A_245 : vector<1x16xf32> to vector<16xf32>
        %mul3A_247 = arith.mulf %get3A_246, %broadcast_in_dim3A_228 : vector<16xf32>
        %swap3A_248 = arith.index_cast %add3A_232 : i32 to index
        %swap3A_249 = arith.constant 16 : index
        %swap3A_250 = tpu.vector_load %arg6[%swap3A_248, %swap3A_249] {strides = array<i32>} : memref<640x64xf32, #tpu.memory_space<vmem>>, vector<1x16xf32>,
        %swap3A_251 = vector.shape_cast %swap3A_250 : vector<1x16xf32> to vector<16xf32>
        %swap3A_252 = vector.shape_cast %mul3A_247 : vector<16xf32> to vector<1x16xf32>
        tpu.vector_store %arg6[%swap3A_248, %swap3A_249], %swap3A_252 {strides = array<i32>} : memref<640x64xf32, #tpu.memory_space<vmem>>, vector<1x16xf32>,
        %get3A_253 = arith.index_cast %add3A_232 : i32 to index
        %get3A_254 = arith.constant 32 : index
        %get3A_255 = tpu.vector_load %arg6[%get3A_253, %get3A_254] {strides = array<i32>} : memref<640x64xf32, #tpu.memory_space<vmem>>, vector<1x16xf32>,
        %get3A_256 = vector.shape_cast %get3A_255 : vector<1x16xf32> to vector<16xf32>
        %mul3A_257 = arith.mulf %get3A_256, %broadcast_in_dim3A_228 : vector<16xf32>
        %swap3A_258 = arith.index_cast %add3A_232 : i32 to index
        %swap3A_259 = arith.constant 32 : index
        %swap3A_260 = tpu.vector_load %arg6[%swap3A_258, %swap3A_259] {strides = array<i32>} : memref<640x64xf32, #tpu.memory_space<vmem>>, vector<1x16xf32>,
        %swap3A_261 = vector.shape_cast %swap3A_260 : vector<1x16xf32> to vector<16xf32>
        %swap3A_262 = vector.shape_cast %mul3A_257 : vector<16xf32> to vector<1x16xf32>
        tpu.vector_store %arg6[%swap3A_258, %swap3A_259], %swap3A_262 {strides = array<i32>} : memref<640x64xf32, #tpu.memory_space<vmem>>, vector<1x16xf32>,
        %get3A_263 = arith.index_cast %add3A_232 : i32 to index
        %get3A_264 = arith.constant 48 : index
        %get3A_265 = tpu.vector_load %arg6[%get3A_263, %get3A_264] {strides = array<i32>} : memref<640x64xf32, #tpu.memory_space<vmem>>, vector<1x16xf32>,
        %get3A_266 = vector.shape_cast %get3A_265 : vector<1x16xf32> to vector<16xf32>
        %mul3A_267 = arith.mulf %get3A_266, %broadcast_in_dim3A_228 : vector<16xf32>
        %swap3A_268 = arith.index_cast %add3A_232 : i32 to index
        %swap3A_269 = arith.constant 48 : index
        %swap3A_270 = tpu.vector_load %arg6[%swap3A_268, %swap3A_269] {strides = array<i32>} : memref<640x64xf32, #tpu.memory_space<vmem>>, vector<1x16xf32>,
        %swap3A_271 = vector.shape_cast %swap3A_270 : vector<1x16xf32> to vector<16xf32>
        %swap3A_272 = vector.shape_cast %mul3A_267 : vector<16xf32> to vector<1x16xf32>
        tpu.vector_store %arg6[%swap3A_268, %swap3A_269], %swap3A_272 {strides = array<i32>} : memref<640x64xf32, #tpu.memory_space<vmem>>, vector<1x16xf32>,
        %slice3A_273 = vector.extract_strided_slice %select_n3A {offsets = [5], sizes = [1], strides = [1]} : vector<16xf32> to vector<1xf32>
        %squeeze3A_274 = vector.extract %slice3A_273[0] : f32 from vector<1xf32>
        %broadcast_in_dim3A_275 = vector.broadcast %squeeze3A_274 : f32 to vector<16xf32>
        %mul3A_276 = arith.constant 16 : i32
        %mul3A_277 = arith.muli %scan3A_31, %mul3A_276 : i32
        %add3A_278 = arith.constant 5 : i32
        %add3A_279 = arith.addi %mul3A_277, %add3A_278 : i32
        %get3A_280 = arith.index_cast %add3A_279 : i32 to index
        %get3A_281 = arith.constant 0 : index
        %get3A_282 = tpu.vector_load %arg6[%get3A_280, %get3A_281] {strides = array<i32>} : memref<640x64xf32, #tpu.memory_space<vmem>>, vector<1x16xf32>,
        %get3A_283 = vector.shape_cast %get3A_282 : vector<1x16xf32> to vector<16xf32>
        %mul3A_284 = arith.mulf %get3A_283, %broadcast_in_dim3A_275 : vector<16xf32>
        %swap3A_285 = arith.index_cast %add3A_279 : i32 to index
        %swap3A_286 = arith.constant 0 : index
        %swap3A_287 = tpu.vector_load %arg6[%swap3A_285, %swap3A_286] {strides = array<i32>} : memref<640x64xf32, #tpu.memory_space<vmem>>, vector<1x16xf32>,
        %swap3A_288 = vector.shape_cast %swap3A_287 : vector<1x16xf32> to vector<16xf32>
        %swap3A_289 = vector.shape_cast %mul3A_284 : vector<16xf32> to vector<1x16xf32>
        tpu.vector_store %arg6[%swap3A_285, %swap3A_286], %swap3A_289 {strides = array<i32>} : memref<640x64xf32, #tpu.memory_space<vmem>>, vector<1x16xf32>,
        %get3A_290 = arith.index_cast %add3A_279 : i32 to index
        %get3A_291 = arith.constant 16 : index
        %get3A_292 = tpu.vector_load %arg6[%get3A_290, %get3A_291] {strides = array<i32>} : memref<640x64xf32, #tpu.memory_space<vmem>>, vector<1x16xf32>,
        %get3A_293 = vector.shape_cast %get3A_292 : vector<1x16xf32> to vector<16xf32>
        %mul3A_294 = arith.mulf %get3A_293, %broadcast_in_dim3A_275 : vector<16xf32>
        %swap3A_295 = arith.index_cast %add3A_279 : i32 to index
        %swap3A_296 = arith.constant 16 : index
        %swap3A_297 = tpu.vector_load %arg6[%swap3A_295, %swap3A_296] {strides = array<i32>} : memref<640x64xf32, #tpu.memory_space<vmem>>, vector<1x16xf32>,
        %swap3A_298 = vector.shape_cast %swap3A_297 : vector<1x16xf32> to vector<16xf32>
        %swap3A_299 = vector.shape_cast %mul3A_294 : vector<16xf32> to vector<1x16xf32>
        tpu.vector_store %arg6[%swap3A_295, %swap3A_296], %swap3A_299 {strides = array<i32>} : memref<640x64xf32, #tpu.memory_space<vmem>>, vector<1x16xf32>,
        %get3A_300 = arith.index_cast %add3A_279 : i32 to index
        %get3A_301 = arith.constant 32 : index
        %get3A_302 = tpu.vector_load %arg6[%get3A_300, %get3A_301] {strides = array<i32>} : memref<640x64xf32, #tpu.memory_space<vmem>>, vector<1x16xf32>,
        %get3A_303 = vector.shape_cast %get3A_302 : vector<1x16xf32> to vector<16xf32>
        %mul3A_304 = arith.mulf %get3A_303, %broadcast_in_dim3A_275 : vector<16xf32>
        %swap3A_305 = arith.index_cast %add3A_279 : i32 to index
        %swap3A_306 = arith.constant 32 : index
        %swap3A_307 = tpu.vector_load %arg6[%swap3A_305, %swap3A_306] {strides = array<i32>} : memref<640x64xf32, #tpu.memory_space<vmem>>, vector<1x16xf32>,
        %swap3A_308 = vector.shape_cast %swap3A_307 : vector<1x16xf32> to vector<16xf32>
        %swap3A_309 = vector.shape_cast %mul3A_304 : vector<16xf32> to vector<1x16xf32>
        tpu.vector_store %arg6[%swap3A_305, %swap3A_306], %swap3A_309 {strides = array<i32>} : memref<640x64xf32, #tpu.memory_space<vmem>>, vector<1x16xf32>,
        %get3A_310 = arith.index_cast %add3A_279 : i32 to index
        %get3A_311 = arith.constant 48 : index
        %get3A_312 = tpu.vector_load %arg6[%get3A_310, %get3A_311] {strides = array<i32>} : memref<640x64xf32, #tpu.memory_space<vmem>>, vector<1x16xf32>,
        %get3A_313 = vector.shape_cast %get3A_312 : vector<1x16xf32> to vector<16xf32>
        %mul3A_314 = arith.mulf %get3A_313, %broadcast_in_dim3A_275 : vector<16xf32>
        %swap3A_315 = arith.index_cast %add3A_279 : i32 to index
        %swap3A_316 = arith.constant 48 : index
        %swap3A_317 = tpu.vector_load %arg6[%swap3A_315, %swap3A_316] {strides = array<i32>} : memref<640x64xf32, #tpu.memory_space<vmem>>, vector<1x16xf32>,
        %swap3A_318 = vector.shape_cast %swap3A_317 : vector<1x16xf32> to vector<16xf32>
        %swap3A_319 = vector.shape_cast %mul3A_314 : vector<16xf32> to vector<1x16xf32>
        tpu.vector_store %arg6[%swap3A_315, %swap3A_316], %swap3A_319 {strides = array<i32>} : memref<640x64xf32, #tpu.memory_space<vmem>>, vector<1x16xf32>,
        %slice3A_320 = vector.extract_strided_slice %select_n3A {offsets = [6], sizes = [1], strides = [1]} : vector<16xf32> to vector<1xf32>
        %squeeze3A_321 = vector.extract %slice3A_320[0] : f32 from vector<1xf32>
        %broadcast_in_dim3A_322 = vector.broadcast %squeeze3A_321 : f32 to vector<16xf32>
        %mul3A_323 = arith.constant 16 : i32
        %mul3A_324 = arith.muli %scan3A_31, %mul3A_323 : i32
        %add3A_325 = arith.constant 6 : i32
        %add3A_326 = arith.addi %mul3A_324, %add3A_325 : i32
        %get3A_327 = arith.index_cast %add3A_326 : i32 to index
        %get3A_328 = arith.constant 0 : index
        %get3A_329 = tpu.vector_load %arg6[%get3A_327, %get3A_328] {strides = array<i32>} : memref<640x64xf32, #tpu.memory_space<vmem>>, vector<1x16xf32>,
        %get3A_330 = vector.shape_cast %get3A_329 : vector<1x16xf32> to vector<16xf32>
        %mul3A_331 = arith.mulf %get3A_330, %broadcast_in_dim3A_322 : vector<16xf32>
        %swap3A_332 = arith.index_cast %add3A_326 : i32 to index
        %swap3A_333 = arith.constant 0 : index
        %swap3A_334 = tpu.vector_load %arg6[%swap3A_332, %swap3A_333] {strides = array<i32>} : memref<640x64xf32, #tpu.memory_space<vmem>>, vector<1x16xf32>,
        %swap3A_335 = vector.shape_cast %swap3A_334 : vector<1x16xf32> to vector<16xf32>
        %swap3A_336 = vector.shape_cast %mul3A_331 : vector<16xf32> to vector<1x16xf32>
        tpu.vector_store %arg6[%swap3A_332, %swap3A_333], %swap3A_336 {strides = array<i32>} : memref<640x64xf32, #tpu.memory_space<vmem>>, vector<1x16xf32>,
        %get3A_337 = arith.index_cast %add3A_326 : i32 to index
        %get3A_338 = arith.constant 16 : index
        %get3A_339 = tpu.vector_load %arg6[%get3A_337, %get3A_338] {strides = array<i32>} : memref<640x64xf32, #tpu.memory_space<vmem>>, vector<1x16xf32>,
        %get3A_340 = vector.shape_cast %get3A_339 : vector<1x16xf32> to vector<16xf32>
        %mul3A_341 = arith.mulf %get3A_340, %broadcast_in_dim3A_322 : vector<16xf32>
        %swap3A_342 = arith.index_cast %add3A_326 : i32 to index
        %swap3A_343 = arith.constant 16 : index
        %swap3A_344 = tpu.vector_load %arg6[%swap3A_342, %swap3A_343] {strides = array<i32>} : memref<640x64xf32, #tpu.memory_space<vmem>>, vector<1x16xf32>,
        %swap3A_345 = vector.shape_cast %swap3A_344 : vector<1x16xf32> to vector<16xf32>
        %swap3A_346 = vector.shape_cast %mul3A_341 : vector<16xf32> to vector<1x16xf32>
        tpu.vector_store %arg6[%swap3A_342, %swap3A_343], %swap3A_346 {strides = array<i32>} : memref<640x64xf32, #tpu.memory_space<vmem>>, vector<1x16xf32>,
        %get3A_347 = arith.index_cast %add3A_326 : i32 to index
        %get3A_348 = arith.constant 32 : index
        %get3A_349 = tpu.vector_load %arg6[%get3A_347, %get3A_348] {strides = array<i32>} : memref<640x64xf32, #tpu.memory_space<vmem>>, vector<1x16xf32>,
        %get3A_350 = vector.shape_cast %get3A_349 : vector<1x16xf32> to vector<16xf32>
        %mul3A_351 = arith.mulf %get3A_350, %broadcast_in_dim3A_322 : vector<16xf32>
        %swap3A_352 = arith.index_cast %add3A_326 : i32 to index
        %swap3A_353 = arith.constant 32 : index
        %swap3A_354 = tpu.vector_load %arg6[%swap3A_352, %swap3A_353] {strides = array<i32>} : memref<640x64xf32, #tpu.memory_space<vmem>>, vector<1x16xf32>,
        %swap3A_355 = vector.shape_cast %swap3A_354 : vector<1x16xf32> to vector<16xf32>
        %swap3A_356 = vector.shape_cast %mul3A_351 : vector<16xf32> to vector<1x16xf32>
        tpu.vector_store %arg6[%swap3A_352, %swap3A_353], %swap3A_356 {strides = array<i32>} : memref<640x64xf32, #tpu.memory_space<vmem>>, vector<1x16xf32>,
        %get3A_357 = arith.index_cast %add3A_326 : i32 to index
        %get3A_358 = arith.constant 48 : index
        %get3A_359 = tpu.vector_load %arg6[%get3A_357, %get3A_358] {strides = array<i32>} : memref<640x64xf32, #tpu.memory_space<vmem>>, vector<1x16xf32>,
        %get3A_360 = vector.shape_cast %get3A_359 : vector<1x16xf32> to vector<16xf32>
        %mul3A_361 = arith.mulf %get3A_360, %broadcast_in_dim3A_322 : vector<16xf32>
        %swap3A_362 = arith.index_cast %add3A_326 : i32 to index
        %swap3A_363 = arith.constant 48 : index
        %swap3A_364 = tpu.vector_load %arg6[%swap3A_362, %swap3A_363] {strides = array<i32>} : memref<640x64xf32, #tpu.memory_space<vmem>>, vector<1x16xf32>,
        %swap3A_365 = vector.shape_cast %swap3A_364 : vector<1x16xf32> to vector<16xf32>
        %swap3A_366 = vector.shape_cast %mul3A_361 : vector<16xf32> to vector<1x16xf32>
        tpu.vector_store %arg6[%swap3A_362, %swap3A_363], %swap3A_366 {strides = array<i32>} : memref<640x64xf32, #tpu.memory_space<vmem>>, vector<1x16xf32>,
        %slice3A_367 = vector.extract_strided_slice %select_n3A {offsets = [7], sizes = [1], strides = [1]} : vector<16xf32> to vector<1xf32>
        %squeeze3A_368 = vector.extract %slice3A_367[0] : f32 from vector<1xf32>
        %broadcast_in_dim3A_369 = vector.broadcast %squeeze3A_368 : f32 to vector<16xf32>
        %mul3A_370 = arith.constant 16 : i32
        %mul3A_371 = arith.muli %scan3A_31, %mul3A_370 : i32
        %add3A_372 = arith.constant 7 : i32
        %add3A_373 = arith.addi %mul3A_371, %add3A_372 : i32
        %get3A_374 = arith.index_cast %add3A_373 : i32 to index
        %get3A_375 = arith.constant 0 : index
        %get3A_376 = tpu.vector_load %arg6[%get3A_374, %get3A_375] {strides = array<i32>} : memref<640x64xf32, #tpu.memory_space<vmem>>, vector<1x16xf32>,
        %get3A_377 = vector.shape_cast %get3A_376 : vector<1x16xf32> to vector<16xf32>
        %mul3A_378 = arith.mulf %get3A_377, %broadcast_in_dim3A_369 : vector<16xf32>
        %swap3A_379 = arith.index_cast %add3A_373 : i32 to index
        %swap3A_380 = arith.constant 0 : index
        %swap3A_381 = tpu.vector_load %arg6[%swap3A_379, %swap3A_380] {strides = array<i32>} : memref<640x64xf32, #tpu.memory_space<vmem>>, vector<1x16xf32>,
        %swap3A_382 = vector.shape_cast %swap3A_381 : vector<1x16xf32> to vector<16xf32>
        %swap3A_383 = vector.shape_cast %mul3A_378 : vector<16xf32> to vector<1x16xf32>
        tpu.vector_store %arg6[%swap3A_379, %swap3A_380], %swap3A_383 {strides = array<i32>} : memref<640x64xf32, #tpu.memory_space<vmem>>, vector<1x16xf32>,
        %get3A_384 = arith.index_cast %add3A_373 : i32 to index
        %get3A_385 = arith.constant 16 : index
        %get3A_386 = tpu.vector_load %arg6[%get3A_384, %get3A_385] {strides = array<i32>} : memref<640x64xf32, #tpu.memory_space<vmem>>, vector<1x16xf32>,
        %get3A_387 = vector.shape_cast %get3A_386 : vector<1x16xf32> to vector<16xf32>
        %mul3A_388 = arith.mulf %get3A_387, %broadcast_in_dim3A_369 : vector<16xf32>
        %swap3A_389 = arith.index_cast %add3A_373 : i32 to index
        %swap3A_390 = arith.constant 16 : index
        %swap3A_391 = tpu.vector_load %arg6[%swap3A_389, %swap3A_390] {strides = array<i32>} : memref<640x64xf32, #tpu.memory_space<vmem>>, vector<1x16xf32>,
        %swap3A_392 = vector.shape_cast %swap3A_391 : vector<1x16xf32> to vector<16xf32>
        %swap3A_393 = vector.shape_cast %mul3A_388 : vector<16xf32> to vector<1x16xf32>
        tpu.vector_store %arg6[%swap3A_389, %swap3A_390], %swap3A_393 {strides = array<i32>} : memref<640x64xf32, #tpu.memory_space<vmem>>, vector<1x16xf32>,
        %get3A_394 = arith.index_cast %add3A_373 : i32 to index
        %get3A_395 = arith.constant 32 : index
        %get3A_396 = tpu.vector_load %arg6[%get3A_394, %get3A_395] {strides = array<i32>} : memref<640x64xf32, #tpu.memory_space<vmem>>, vector<1x16xf32>,
        %get3A_397 = vector.shape_cast %get3A_396 : vector<1x16xf32> to vector<16xf32>
        %mul3A_398 = arith.mulf %get3A_397, %broadcast_in_dim3A_369 : vector<16xf32>
        %swap3A_399 = arith.index_cast %add3A_373 : i32 to index
        %swap3A_400 = arith.constant 32 : index
        %swap3A_401 = tpu.vector_load %arg6[%swap3A_399, %swap3A_400] {strides = array<i32>} : memref<640x64xf32, #tpu.memory_space<vmem>>, vector<1x16xf32>,
        %swap3A_402 = vector.shape_cast %swap3A_401 : vector<1x16xf32> to vector<16xf32>
        %swap3A_403 = vector.shape_cast %mul3A_398 : vector<16xf32> to vector<1x16xf32>
        tpu.vector_store %arg6[%swap3A_399, %swap3A_400], %swap3A_403 {strides = array<i32>} : memref<640x64xf32, #tpu.memory_space<vmem>>, vector<1x16xf32>,
        %get3A_404 = arith.index_cast %add3A_373 : i32 to index
        %get3A_405 = arith.constant 48 : index
        %get3A_406 = tpu.vector_load %arg6[%get3A_404, %get3A_405] {strides = array<i32>} : memref<640x64xf32, #tpu.memory_space<vmem>>, vector<1x16xf32>,
        %get3A_407 = vector.shape_cast %get3A_406 : vector<1x16xf32> to vector<16xf32>
        %mul3A_408 = arith.mulf %get3A_407, %broadcast_in_dim3A_369 : vector<16xf32>
        %swap3A_409 = arith.index_cast %add3A_373 : i32 to index
        %swap3A_410 = arith.constant 48 : index
        %swap3A_411 = tpu.vector_load %arg6[%swap3A_409, %swap3A_410] {strides = array<i32>} : memref<640x64xf32, #tpu.memory_space<vmem>>, vector<1x16xf32>,
        %swap3A_412 = vector.shape_cast %swap3A_411 : vector<1x16xf32> to vector<16xf32>
        %swap3A_413 = vector.shape_cast %mul3A_408 : vector<16xf32> to vector<1x16xf32>
        tpu.vector_store %arg6[%swap3A_409, %swap3A_410], %swap3A_413 {strides = array<i32>} : memref<640x64xf32, #tpu.memory_space<vmem>>, vector<1x16xf32>,
        %slice3A_414 = vector.extract_strided_slice %select_n3A {offsets = [8], sizes = [1], strides = [1]} : vector<16xf32> to vector<1xf32>
        %squeeze3A_415 = vector.extract %slice3A_414[0] : f32 from vector<1xf32>
        %broadcast_in_dim3A_416 = vector.broadcast %squeeze3A_415 : f32 to vector<16xf32>
        %mul3A_417 = arith.constant 16 : i32
        %mul3A_418 = arith.muli %scan3A_31, %mul3A_417 : i32
        %add3A_419 = arith.constant 8 : i32
        %add3A_420 = arith.addi %mul3A_418, %add3A_419 : i32
        %get3A_421 = arith.index_cast %add3A_420 : i32 to index
        %get3A_422 = arith.constant 0 : index
        %get3A_423 = tpu.vector_load %arg6[%get3A_421, %get3A_422] {strides = array<i32>} : memref<640x64xf32, #tpu.memory_space<vmem>>, vector<1x16xf32>,
        %get3A_424 = vector.shape_cast %get3A_423 : vector<1x16xf32> to vector<16xf32>
        %mul3A_425 = arith.mulf %get3A_424, %broadcast_in_dim3A_416 : vector<16xf32>
        %swap3A_426 = arith.index_cast %add3A_420 : i32 to index
        %swap3A_427 = arith.constant 0 : index
        %swap3A_428 = tpu.vector_load %arg6[%swap3A_426, %swap3A_427] {strides = array<i32>} : memref<640x64xf32, #tpu.memory_space<vmem>>, vector<1x16xf32>,
        %swap3A_429 = vector.shape_cast %swap3A_428 : vector<1x16xf32> to vector<16xf32>
        %swap3A_430 = vector.shape_cast %mul3A_425 : vector<16xf32> to vector<1x16xf32>
        tpu.vector_store %arg6[%swap3A_426, %swap3A_427], %swap3A_430 {strides = array<i32>} : memref<640x64xf32, #tpu.memory_space<vmem>>, vector<1x16xf32>,
        %get3A_431 = arith.index_cast %add3A_420 : i32 to index
        %get3A_432 = arith.constant 16 : index
        %get3A_433 = tpu.vector_load %arg6[%get3A_431, %get3A_432] {strides = array<i32>} : memref<640x64xf32, #tpu.memory_space<vmem>>, vector<1x16xf32>,
        %get3A_434 = vector.shape_cast %get3A_433 : vector<1x16xf32> to vector<16xf32>
        %mul3A_435 = arith.mulf %get3A_434, %broadcast_in_dim3A_416 : vector<16xf32>
        %swap3A_436 = arith.index_cast %add3A_420 : i32 to index
        %swap3A_437 = arith.constant 16 : index
        %swap3A_438 = tpu.vector_load %arg6[%swap3A_436, %swap3A_437] {strides = array<i32>} : memref<640x64xf32, #tpu.memory_space<vmem>>, vector<1x16xf32>,
        %swap3A_439 = vector.shape_cast %swap3A_438 : vector<1x16xf32> to vector<16xf32>
        %swap3A_440 = vector.shape_cast %mul3A_435 : vector<16xf32> to vector<1x16xf32>
        tpu.vector_store %arg6[%swap3A_436, %swap3A_437], %swap3A_440 {strides = array<i32>} : memref<640x64xf32, #tpu.memory_space<vmem>>, vector<1x16xf32>,
        %get3A_441 = arith.index_cast %add3A_420 : i32 to index
        %get3A_442 = arith.constant 32 : index
        %get3A_443 = tpu.vector_load %arg6[%get3A_441, %get3A_442] {strides = array<i32>} : memref<640x64xf32, #tpu.memory_space<vmem>>, vector<1x16xf32>,
        %get3A_444 = vector.shape_cast %get3A_443 : vector<1x16xf32> to vector<16xf32>
        %mul3A_445 = arith.mulf %get3A_444, %broadcast_in_dim3A_416 : vector<16xf32>
        %swap3A_446 = arith.index_cast %add3A_420 : i32 to index
        %swap3A_447 = arith.constant 32 : index
        %swap3A_448 = tpu.vector_load %arg6[%swap3A_446, %swap3A_447] {strides = array<i32>} : memref<640x64xf32, #tpu.memory_space<vmem>>, vector<1x16xf32>,
        %swap3A_449 = vector.shape_cast %swap3A_448 : vector<1x16xf32> to vector<16xf32>
        %swap3A_450 = vector.shape_cast %mul3A_445 : vector<16xf32> to vector<1x16xf32>
        tpu.vector_store %arg6[%swap3A_446, %swap3A_447], %swap3A_450 {strides = array<i32>} : memref<640x64xf32, #tpu.memory_space<vmem>>, vector<1x16xf32>,
        %get3A_451 = arith.index_cast %add3A_420 : i32 to index
        %get3A_452 = arith.constant 48 : index
        %get3A_453 = tpu.vector_load %arg6[%get3A_451, %get3A_452] {strides = array<i32>} : memref<640x64xf32, #tpu.memory_space<vmem>>, vector<1x16xf32>,
        %get3A_454 = vector.shape_cast %get3A_453 : vector<1x16xf32> to vector<16xf32>
        %mul3A_455 = arith.mulf %get3A_454, %broadcast_in_dim3A_416 : vector<16xf32>
        %swap3A_456 = arith.index_cast %add3A_420 : i32 to index
        %swap3A_457 = arith.constant 48 : index
        %swap3A_458 = tpu.vector_load %arg6[%swap3A_456, %swap3A_457] {strides = array<i32>} : memref<640x64xf32, #tpu.memory_space<vmem>>, vector<1x16xf32>,
        %swap3A_459 = vector.shape_cast %swap3A_458 : vector<1x16xf32> to vector<16xf32>
        %swap3A_460 = vector.shape_cast %mul3A_455 : vector<16xf32> to vector<1x16xf32>
        tpu.vector_store %arg6[%swap3A_456, %swap3A_457], %swap3A_460 {strides = array<i32>} : memref<640x64xf32, #tpu.memory_space<vmem>>, vector<1x16xf32>,
        %slice3A_461 = vector.extract_strided_slice %select_n3A {offsets = [9], sizes = [1], strides = [1]} : vector<16xf32> to vector<1xf32>
        %squeeze3A_462 = vector.extract %slice3A_461[0] : f32 from vector<1xf32>
        %broadcast_in_dim3A_463 = vector.broadcast %squeeze3A_462 : f32 to vector<16xf32>
        %mul3A_464 = arith.constant 16 : i32
        %mul3A_465 = arith.muli %scan3A_31, %mul3A_464 : i32
        %add3A_466 = arith.constant 9 : i32
        %add3A_467 = arith.addi %mul3A_465, %add3A_466 : i32
        %get3A_468 = arith.index_cast %add3A_467 : i32 to index
        %get3A_469 = arith.constant 0 : index
        %get3A_470 = tpu.vector_load %arg6[%get3A_468, %get3A_469] {strides = array<i32>} : memref<640x64xf32, #tpu.memory_space<vmem>>, vector<1x16xf32>,
        %get3A_471 = vector.shape_cast %get3A_470 : vector<1x16xf32> to vector<16xf32>
        %mul3A_472 = arith.mulf %get3A_471, %broadcast_in_dim3A_463 : vector<16xf32>
        %swap3A_473 = arith.index_cast %add3A_467 : i32 to index
        %swap3A_474 = arith.constant 0 : index
        %swap3A_475 = tpu.vector_load %arg6[%swap3A_473, %swap3A_474] {strides = array<i32>} : memref<640x64xf32, #tpu.memory_space<vmem>>, vector<1x16xf32>,
        %swap3A_476 = vector.shape_cast %swap3A_475 : vector<1x16xf32> to vector<16xf32>
        %swap3A_477 = vector.shape_cast %mul3A_472 : vector<16xf32> to vector<1x16xf32>
        tpu.vector_store %arg6[%swap3A_473, %swap3A_474], %swap3A_477 {strides = array<i32>} : memref<640x64xf32, #tpu.memory_space<vmem>>, vector<1x16xf32>,
        %get3A_478 = arith.index_cast %add3A_467 : i32 to index
        %get3A_479 = arith.constant 16 : index
        %get3A_480 = tpu.vector_load %arg6[%get3A_478, %get3A_479] {strides = array<i32>} : memref<640x64xf32, #tpu.memory_space<vmem>>, vector<1x16xf32>,
        %get3A_481 = vector.shape_cast %get3A_480 : vector<1x16xf32> to vector<16xf32>
        %mul3A_482 = arith.mulf %get3A_481, %broadcast_in_dim3A_463 : vector<16xf32>
        %swap3A_483 = arith.index_cast %add3A_467 : i32 to index
        %swap3A_484 = arith.constant 16 : index
        %swap3A_485 = tpu.vector_load %arg6[%swap3A_483, %swap3A_484] {strides = array<i32>} : memref<640x64xf32, #tpu.memory_space<vmem>>, vector<1x16xf32>,
        %swap3A_486 = vector.shape_cast %swap3A_485 : vector<1x16xf32> to vector<16xf32>
        %swap3A_487 = vector.shape_cast %mul3A_482 : vector<16xf32> to vector<1x16xf32>
        tpu.vector_store %arg6[%swap3A_483, %swap3A_484], %swap3A_487 {strides = array<i32>} : memref<640x64xf32, #tpu.memory_space<vmem>>, vector<1x16xf32>,
        %get3A_488 = arith.index_cast %add3A_467 : i32 to index
        %get3A_489 = arith.constant 32 : index
        %get3A_490 = tpu.vector_load %arg6[%get3A_488, %get3A_489] {strides = array<i32>} : memref<640x64xf32, #tpu.memory_space<vmem>>, vector<1x16xf32>,
        %get3A_491 = vector.shape_cast %get3A_490 : vector<1x16xf32> to vector<16xf32>
        %mul3A_492 = arith.mulf %get3A_491, %broadcast_in_dim3A_463 : vector<16xf32>
        %swap3A_493 = arith.index_cast %add3A_467 : i32 to index
        %swap3A_494 = arith.constant 32 : index
        %swap3A_495 = tpu.vector_load %arg6[%swap3A_493, %swap3A_494] {strides = array<i32>} : memref<640x64xf32, #tpu.memory_space<vmem>>, vector<1x16xf32>,
        %swap3A_496 = vector.shape_cast %swap3A_495 : vector<1x16xf32> to vector<16xf32>
        %swap3A_497 = vector.shape_cast %mul3A_492 : vector<16xf32> to vector<1x16xf32>
        tpu.vector_store %arg6[%swap3A_493, %swap3A_494], %swap3A_497 {strides = array<i32>} : memref<640x64xf32, #tpu.memory_space<vmem>>, vector<1x16xf32>,
        %get3A_498 = arith.index_cast %add3A_467 : i32 to index
        %get3A_499 = arith.constant 48 : index
        %get3A_500 = tpu.vector_load %arg6[%get3A_498, %get3A_499] {strides = array<i32>} : memref<640x64xf32, #tpu.memory_space<vmem>>, vector<1x16xf32>,
        %get3A_501 = vector.shape_cast %get3A_500 : vector<1x16xf32> to vector<16xf32>
        %mul3A_502 = arith.mulf %get3A_501, %broadcast_in_dim3A_463 : vector<16xf32>
        %swap3A_503 = arith.index_cast %add3A_467 : i32 to index
        %swap3A_504 = arith.constant 48 : index
        %swap3A_505 = tpu.vector_load %arg6[%swap3A_503, %swap3A_504] {strides = array<i32>} : memref<640x64xf32, #tpu.memory_space<vmem>>, vector<1x16xf32>,
        %swap3A_506 = vector.shape_cast %swap3A_505 : vector<1x16xf32> to vector<16xf32>
        %swap3A_507 = vector.shape_cast %mul3A_502 : vector<16xf32> to vector<1x16xf32>
        tpu.vector_store %arg6[%swap3A_503, %swap3A_504], %swap3A_507 {strides = array<i32>} : memref<640x64xf32, #tpu.memory_space<vmem>>, vector<1x16xf32>,
        %slice3A_508 = vector.extract_strided_slice %select_n3A {offsets = [10], sizes = [1], strides = [1]} : vector<16xf32> to vector<1xf32>
        %squeeze3A_509 = vector.extract %slice3A_508[0] : f32 from vector<1xf32>
        %broadcast_in_dim3A_510 = vector.broadcast %squeeze3A_509 : f32 to vector<16xf32>
        %mul3A_511 = arith.constant 16 : i32
        %mul3A_512 = arith.muli %scan3A_31, %mul3A_511 : i32
        %add3A_513 = arith.constant 10 : i32
        %add3A_514 = arith.addi %mul3A_512, %add3A_513 : i32
        %get3A_515 = arith.index_cast %add3A_514 : i32 to index
        %get3A_516 = arith.constant 0 : index
        %get3A_517 = tpu.vector_load %arg6[%get3A_515, %get3A_516] {strides = array<i32>} : memref<640x64xf32, #tpu.memory_space<vmem>>, vector<1x16xf32>,
        %get3A_518 = vector.shape_cast %get3A_517 : vector<1x16xf32> to vector<16xf32>
        %mul3A_519 = arith.mulf %get3A_518, %broadcast_in_dim3A_510 : vector<16xf32>
        %swap3A_520 = arith.index_cast %add3A_514 : i32 to index
        %swap3A_521 = arith.constant 0 : index
        %swap3A_522 = tpu.vector_load %arg6[%swap3A_520, %swap3A_521] {strides = array<i32>} : memref<640x64xf32, #tpu.memory_space<vmem>>, vector<1x16xf32>,
        %swap3A_523 = vector.shape_cast %swap3A_522 : vector<1x16xf32> to vector<16xf32>
        %swap3A_524 = vector.shape_cast %mul3A_519 : vector<16xf32> to vector<1x16xf32>
        tpu.vector_store %arg6[%swap3A_520, %swap3A_521], %swap3A_524 {strides = array<i32>} : memref<640x64xf32, #tpu.memory_space<vmem>>, vector<1x16xf32>,
        %get3A_525 = arith.index_cast %add3A_514 : i32 to index
        %get3A_526 = arith.constant 16 : index
        %get3A_527 = tpu.vector_load %arg6[%get3A_525, %get3A_526] {strides = array<i32>} : memref<640x64xf32, #tpu.memory_space<vmem>>, vector<1x16xf32>,
        %get3A_528 = vector.shape_cast %get3A_527 : vector<1x16xf32> to vector<16xf32>
        %mul3A_529 = arith.mulf %get3A_528, %broadcast_in_dim3A_510 : vector<16xf32>
        %swap3A_530 = arith.index_cast %add3A_514 : i32 to index
        %swap3A_531 = arith.constant 16 : index
        %swap3A_532 = tpu.vector_load %arg6[%swap3A_530, %swap3A_531] {strides = array<i32>} : memref<640x64xf32, #tpu.memory_space<vmem>>, vector<1x16xf32>,
        %swap3A_533 = vector.shape_cast %swap3A_532 : vector<1x16xf32> to vector<16xf32>
        %swap3A_534 = vector.shape_cast %mul3A_529 : vector<16xf32> to vector<1x16xf32>
        tpu.vector_store %arg6[%swap3A_530, %swap3A_531], %swap3A_534 {strides = array<i32>} : memref<640x64xf32, #tpu.memory_space<vmem>>, vector<1x16xf32>,
        %get3A_535 = arith.index_cast %add3A_514 : i32 to index
        %get3A_536 = arith.constant 32 : index
        %get3A_537 = tpu.vector_load %arg6[%get3A_535, %get3A_536] {strides = array<i32>} : memref<640x64xf32, #tpu.memory_space<vmem>>, vector<1x16xf32>,
        %get3A_538 = vector.shape_cast %get3A_537 : vector<1x16xf32> to vector<16xf32>
        %mul3A_539 = arith.mulf %get3A_538, %broadcast_in_dim3A_510 : vector<16xf32>
        %swap3A_540 = arith.index_cast %add3A_514 : i32 to index
        %swap3A_541 = arith.constant 32 : index
        %swap3A_542 = tpu.vector_load %arg6[%swap3A_540, %swap3A_541] {strides = array<i32>} : memref<640x64xf32, #tpu.memory_space<vmem>>, vector<1x16xf32>,
        %swap3A_543 = vector.shape_cast %swap3A_542 : vector<1x16xf32> to vector<16xf32>
        %swap3A_544 = vector.shape_cast %mul3A_539 : vector<16xf32> to vector<1x16xf32>
        tpu.vector_store %arg6[%swap3A_540, %swap3A_541], %swap3A_544 {strides = array<i32>} : memref<640x64xf32, #tpu.memory_space<vmem>>, vector<1x16xf32>,
        %get3A_545 = arith.index_cast %add3A_514 : i32 to index
        %get3A_546 = arith.constant 48 : index
        %get3A_547 = tpu.vector_load %arg6[%get3A_545, %get3A_546] {strides = array<i32>} : memref<640x64xf32, #tpu.memory_space<vmem>>, vector<1x16xf32>,
        %get3A_548 = vector.shape_cast %get3A_547 : vector<1x16xf32> to vector<16xf32>
        %mul3A_549 = arith.mulf %get3A_548, %broadcast_in_dim3A_510 : vector<16xf32>
        %swap3A_550 = arith.index_cast %add3A_514 : i32 to index
        %swap3A_551 = arith.constant 48 : index
        %swap3A_552 = tpu.vector_load %arg6[%swap3A_550, %swap3A_551] {strides = array<i32>} : memref<640x64xf32, #tpu.memory_space<vmem>>, vector<1x16xf32>,
        %swap3A_553 = vector.shape_cast %swap3A_552 : vector<1x16xf32> to vector<16xf32>
        %swap3A_554 = vector.shape_cast %mul3A_549 : vector<16xf32> to vector<1x16xf32>
        tpu.vector_store %arg6[%swap3A_550, %swap3A_551], %swap3A_554 {strides = array<i32>} : memref<640x64xf32, #tpu.memory_space<vmem>>, vector<1x16xf32>,
        %slice3A_555 = vector.extract_strided_slice %select_n3A {offsets = [11], sizes = [1], strides = [1]} : vector<16xf32> to vector<1xf32>
        %squeeze3A_556 = vector.extract %slice3A_555[0] : f32 from vector<1xf32>
        %broadcast_in_dim3A_557 = vector.broadcast %squeeze3A_556 : f32 to vector<16xf32>
        %mul3A_558 = arith.constant 16 : i32
        %mul3A_559 = arith.muli %scan3A_31, %mul3A_558 : i32
        %add3A_560 = arith.constant 11 : i32
        %add3A_561 = arith.addi %mul3A_559, %add3A_560 : i32
        %get3A_562 = arith.index_cast %add3A_561 : i32 to index
        %get3A_563 = arith.constant 0 : index
        %get3A_564 = tpu.vector_load %arg6[%get3A_562, %get3A_563] {strides = array<i32>} : memref<640x64xf32, #tpu.memory_space<vmem>>, vector<1x16xf32>,
        %get3A_565 = vector.shape_cast %get3A_564 : vector<1x16xf32> to vector<16xf32>
        %mul3A_566 = arith.mulf %get3A_565, %broadcast_in_dim3A_557 : vector<16xf32>
        %swap3A_567 = arith.index_cast %add3A_561 : i32 to index
        %swap3A_568 = arith.constant 0 : index
        %swap3A_569 = tpu.vector_load %arg6[%swap3A_567, %swap3A_568] {strides = array<i32>} : memref<640x64xf32, #tpu.memory_space<vmem>>, vector<1x16xf32>,
        %swap3A_570 = vector.shape_cast %swap3A_569 : vector<1x16xf32> to vector<16xf32>
        %swap3A_571 = vector.shape_cast %mul3A_566 : vector<16xf32> to vector<1x16xf32>
        tpu.vector_store %arg6[%swap3A_567, %swap3A_568], %swap3A_571 {strides = array<i32>} : memref<640x64xf32, #tpu.memory_space<vmem>>, vector<1x16xf32>,
        %get3A_572 = arith.index_cast %add3A_561 : i32 to index
        %get3A_573 = arith.constant 16 : index
        %get3A_574 = tpu.vector_load %arg6[%get3A_572, %get3A_573] {strides = array<i32>} : memref<640x64xf32, #tpu.memory_space<vmem>>, vector<1x16xf32>,
        %get3A_575 = vector.shape_cast %get3A_574 : vector<1x16xf32> to vector<16xf32>
        %mul3A_576 = arith.mulf %get3A_575, %broadcast_in_dim3A_557 : vector<16xf32>
        %swap3A_577 = arith.index_cast %add3A_561 : i32 to index
        %swap3A_578 = arith.constant 16 : index
        %swap3A_579 = tpu.vector_load %arg6[%swap3A_577, %swap3A_578] {strides = array<i32>} : memref<640x64xf32, #tpu.memory_space<vmem>>, vector<1x16xf32>,
        %swap3A_580 = vector.shape_cast %swap3A_579 : vector<1x16xf32> to vector<16xf32>
        %swap3A_581 = vector.shape_cast %mul3A_576 : vector<16xf32> to vector<1x16xf32>
        tpu.vector_store %arg6[%swap3A_577, %swap3A_578], %swap3A_581 {strides = array<i32>} : memref<640x64xf32, #tpu.memory_space<vmem>>, vector<1x16xf32>,
        %get3A_582 = arith.index_cast %add3A_561 : i32 to index
        %get3A_583 = arith.constant 32 : index
        %get3A_584 = tpu.vector_load %arg6[%get3A_582, %get3A_583] {strides = array<i32>} : memref<640x64xf32, #tpu.memory_space<vmem>>, vector<1x16xf32>,
        %get3A_585 = vector.shape_cast %get3A_584 : vector<1x16xf32> to vector<16xf32>
        %mul3A_586 = arith.mulf %get3A_585, %broadcast_in_dim3A_557 : vector<16xf32>
        %swap3A_587 = arith.index_cast %add3A_561 : i32 to index
        %swap3A_588 = arith.constant 32 : index
        %swap3A_589 = tpu.vector_load %arg6[%swap3A_587, %swap3A_588] {strides = array<i32>} : memref<640x64xf32, #tpu.memory_space<vmem>>, vector<1x16xf32>,
        %swap3A_590 = vector.shape_cast %swap3A_589 : vector<1x16xf32> to vector<16xf32>
        %swap3A_591 = vector.shape_cast %mul3A_586 : vector<16xf32> to vector<1x16xf32>
        tpu.vector_store %arg6[%swap3A_587, %swap3A_588], %swap3A_591 {strides = array<i32>} : memref<640x64xf32, #tpu.memory_space<vmem>>, vector<1x16xf32>,
        %get3A_592 = arith.index_cast %add3A_561 : i32 to index
        %get3A_593 = arith.constant 48 : index
        %get3A_594 = tpu.vector_load %arg6[%get3A_592, %get3A_593] {strides = array<i32>} : memref<640x64xf32, #tpu.memory_space<vmem>>, vector<1x16xf32>,
        %get3A_595 = vector.shape_cast %get3A_594 : vector<1x16xf32> to vector<16xf32>
        %mul3A_596 = arith.mulf %get3A_595, %broadcast_in_dim3A_557 : vector<16xf32>
        %swap3A_597 = arith.index_cast %add3A_561 : i32 to index
        %swap3A_598 = arith.constant 48 : index
        %swap3A_599 = tpu.vector_load %arg6[%swap3A_597, %swap3A_598] {strides = array<i32>} : memref<640x64xf32, #tpu.memory_space<vmem>>, vector<1x16xf32>,
        %swap3A_600 = vector.shape_cast %swap3A_599 : vector<1x16xf32> to vector<16xf32>
        %swap3A_601 = vector.shape_cast %mul3A_596 : vector<16xf32> to vector<1x16xf32>
        tpu.vector_store %arg6[%swap3A_597, %swap3A_598], %swap3A_601 {strides = array<i32>} : memref<640x64xf32, #tpu.memory_space<vmem>>, vector<1x16xf32>,
        %slice3A_602 = vector.extract_strided_slice %select_n3A {offsets = [12], sizes = [1], strides = [1]} : vector<16xf32> to vector<1xf32>
        %squeeze3A_603 = vector.extract %slice3A_602[0] : f32 from vector<1xf32>
        %broadcast_in_dim3A_604 = vector.broadcast %squeeze3A_603 : f32 to vector<16xf32>
        %mul3A_605 = arith.constant 16 : i32
        %mul3A_606 = arith.muli %scan3A_31, %mul3A_605 : i32
        %add3A_607 = arith.constant 12 : i32
        %add3A_608 = arith.addi %mul3A_606, %add3A_607 : i32
        %get3A_609 = arith.index_cast %add3A_608 : i32 to index
        %get3A_610 = arith.constant 0 : index
        %get3A_611 = tpu.vector_load %arg6[%get3A_609, %get3A_610] {strides = array<i32>} : memref<640x64xf32, #tpu.memory_space<vmem>>, vector<1x16xf32>,
        %get3A_612 = vector.shape_cast %get3A_611 : vector<1x16xf32> to vector<16xf32>
        %mul3A_613 = arith.mulf %get3A_612, %broadcast_in_dim3A_604 : vector<16xf32>
        %swap3A_614 = arith.index_cast %add3A_608 : i32 to index
        %swap3A_615 = arith.constant 0 : index
        %swap3A_616 = tpu.vector_load %arg6[%swap3A_614, %swap3A_615] {strides = array<i32>} : memref<640x64xf32, #tpu.memory_space<vmem>>, vector<1x16xf32>,
        %swap3A_617 = vector.shape_cast %swap3A_616 : vector<1x16xf32> to vector<16xf32>
        %swap3A_618 = vector.shape_cast %mul3A_613 : vector<16xf32> to vector<1x16xf32>
        tpu.vector_store %arg6[%swap3A_614, %swap3A_615], %swap3A_618 {strides = array<i32>} : memref<640x64xf32, #tpu.memory_space<vmem>>, vector<1x16xf32>,
        %get3A_619 = arith.index_cast %add3A_608 : i32 to index
        %get3A_620 = arith.constant 16 : index
        %get3A_621 = tpu.vector_load %arg6[%get3A_619, %get3A_620] {strides = array<i32>} : memref<640x64xf32, #tpu.memory_space<vmem>>, vector<1x16xf32>,
        %get3A_622 = vector.shape_cast %get3A_621 : vector<1x16xf32> to vector<16xf32>
        %mul3A_623 = arith.mulf %get3A_622, %broadcast_in_dim3A_604 : vector<16xf32>
        %swap3A_624 = arith.index_cast %add3A_608 : i32 to index
        %swap3A_625 = arith.constant 16 : index
        %swap3A_626 = tpu.vector_load %arg6[%swap3A_624, %swap3A_625] {strides = array<i32>} : memref<640x64xf32, #tpu.memory_space<vmem>>, vector<1x16xf32>,
        %swap3A_627 = vector.shape_cast %swap3A_626 : vector<1x16xf32> to vector<16xf32>
        %swap3A_628 = vector.shape_cast %mul3A_623 : vector<16xf32> to vector<1x16xf32>
        tpu.vector_store %arg6[%swap3A_624, %swap3A_625], %swap3A_628 {strides = array<i32>} : memref<640x64xf32, #tpu.memory_space<vmem>>, vector<1x16xf32>,
        %get3A_629 = arith.index_cast %add3A_608 : i32 to index
        %get3A_630 = arith.constant 32 : index
        %get3A_631 = tpu.vector_load %arg6[%get3A_629, %get3A_630] {strides = array<i32>} : memref<640x64xf32, #tpu.memory_space<vmem>>, vector<1x16xf32>,
        %get3A_632 = vector.shape_cast %get3A_631 : vector<1x16xf32> to vector<16xf32>
        %mul3A_633 = arith.mulf %get3A_632, %broadcast_in_dim3A_604 : vector<16xf32>
        %swap3A_634 = arith.index_cast %add3A_608 : i32 to index
        %swap3A_635 = arith.constant 32 : index
        %swap3A_636 = tpu.vector_load %arg6[%swap3A_634, %swap3A_635] {strides = array<i32>} : memref<640x64xf32, #tpu.memory_space<vmem>>, vector<1x16xf32>,
        %swap3A_637 = vector.shape_cast %swap3A_636 : vector<1x16xf32> to vector<16xf32>
        %swap3A_638 = vector.shape_cast %mul3A_633 : vector<16xf32> to vector<1x16xf32>
        tpu.vector_store %arg6[%swap3A_634, %swap3A_635], %swap3A_638 {strides = array<i32>} : memref<640x64xf32, #tpu.memory_space<vmem>>, vector<1x16xf32>,
        %get3A_639 = arith.index_cast %add3A_608 : i32 to index
        %get3A_640 = arith.constant 48 : index
        %get3A_641 = tpu.vector_load %arg6[%get3A_639, %get3A_640] {strides = array<i32>} : memref<640x64xf32, #tpu.memory_space<vmem>>, vector<1x16xf32>,
        %get3A_642 = vector.shape_cast %get3A_641 : vector<1x16xf32> to vector<16xf32>
        %mul3A_643 = arith.mulf %get3A_642, %broadcast_in_dim3A_604 : vector<16xf32>
        %swap3A_644 = arith.index_cast %add3A_608 : i32 to index
        %swap3A_645 = arith.constant 48 : index
        %swap3A_646 = tpu.vector_load %arg6[%swap3A_644, %swap3A_645] {strides = array<i32>} : memref<640x64xf32, #tpu.memory_space<vmem>>, vector<1x16xf32>,
        %swap3A_647 = vector.shape_cast %swap3A_646 : vector<1x16xf32> to vector<16xf32>
        %swap3A_648 = vector.shape_cast %mul3A_643 : vector<16xf32> to vector<1x16xf32>
        tpu.vector_store %arg6[%swap3A_644, %swap3A_645], %swap3A_648 {strides = array<i32>} : memref<640x64xf32, #tpu.memory_space<vmem>>, vector<1x16xf32>,
        %slice3A_649 = vector.extract_strided_slice %select_n3A {offsets = [13], sizes = [1], strides = [1]} : vector<16xf32> to vector<1xf32>
        %squeeze3A_650 = vector.extract %slice3A_649[0] : f32 from vector<1xf32>
        %broadcast_in_dim3A_651 = vector.broadcast %squeeze3A_650 : f32 to vector<16xf32>
        %mul3A_652 = arith.constant 16 : i32
        %mul3A_653 = arith.muli %scan3A_31, %mul3A_652 : i32
        %add3A_654 = arith.constant 13 : i32
        %add3A_655 = arith.addi %mul3A_653, %add3A_654 : i32
        %get3A_656 = arith.index_cast %add3A_655 : i32 to index
        %get3A_657 = arith.constant 0 : index
        %get3A_658 = tpu.vector_load %arg6[%get3A_656, %get3A_657] {strides = array<i32>} : memref<640x64xf32, #tpu.memory_space<vmem>>, vector<1x16xf32>,
        %get3A_659 = vector.shape_cast %get3A_658 : vector<1x16xf32> to vector<16xf32>
        %mul3A_660 = arith.mulf %get3A_659, %broadcast_in_dim3A_651 : vector<16xf32>
        %swap3A_661 = arith.index_cast %add3A_655 : i32 to index
        %swap3A_662 = arith.constant 0 : index
        %swap3A_663 = tpu.vector_load %arg6[%swap3A_661, %swap3A_662] {strides = array<i32>} : memref<640x64xf32, #tpu.memory_space<vmem>>, vector<1x16xf32>,
        %swap3A_664 = vector.shape_cast %swap3A_663 : vector<1x16xf32> to vector<16xf32>
        %swap3A_665 = vector.shape_cast %mul3A_660 : vector<16xf32> to vector<1x16xf32>
        tpu.vector_store %arg6[%swap3A_661, %swap3A_662], %swap3A_665 {strides = array<i32>} : memref<640x64xf32, #tpu.memory_space<vmem>>, vector<1x16xf32>,
        %get3A_666 = arith.index_cast %add3A_655 : i32 to index
        %get3A_667 = arith.constant 16 : index
        %get3A_668 = tpu.vector_load %arg6[%get3A_666, %get3A_667] {strides = array<i32>} : memref<640x64xf32, #tpu.memory_space<vmem>>, vector<1x16xf32>,
        %get3A_669 = vector.shape_cast %get3A_668 : vector<1x16xf32> to vector<16xf32>
        %mul3A_670 = arith.mulf %get3A_669, %broadcast_in_dim3A_651 : vector<16xf32>
        %swap3A_671 = arith.index_cast %add3A_655 : i32 to index
        %swap3A_672 = arith.constant 16 : index
        %swap3A_673 = tpu.vector_load %arg6[%swap3A_671, %swap3A_672] {strides = array<i32>} : memref<640x64xf32, #tpu.memory_space<vmem>>, vector<1x16xf32>,
        %swap3A_674 = vector.shape_cast %swap3A_673 : vector<1x16xf32> to vector<16xf32>
        %swap3A_675 = vector.shape_cast %mul3A_670 : vector<16xf32> to vector<1x16xf32>
        tpu.vector_store %arg6[%swap3A_671, %swap3A_672], %swap3A_675 {strides = array<i32>} : memref<640x64xf32, #tpu.memory_space<vmem>>, vector<1x16xf32>,
        %get3A_676 = arith.index_cast %add3A_655 : i32 to index
        %get3A_677 = arith.constant 32 : index
        %get3A_678 = tpu.vector_load %arg6[%get3A_676, %get3A_677] {strides = array<i32>} : memref<640x64xf32, #tpu.memory_space<vmem>>, vector<1x16xf32>,
        %get3A_679 = vector.shape_cast %get3A_678 : vector<1x16xf32> to vector<16xf32>
        %mul3A_680 = arith.mulf %get3A_679, %broadcast_in_dim3A_651 : vector<16xf32>
        %swap3A_681 = arith.index_cast %add3A_655 : i32 to index
        %swap3A_682 = arith.constant 32 : index
        %swap3A_683 = tpu.vector_load %arg6[%swap3A_681, %swap3A_682] {strides = array<i32>} : memref<640x64xf32, #tpu.memory_space<vmem>>, vector<1x16xf32>,
        %swap3A_684 = vector.shape_cast %swap3A_683 : vector<1x16xf32> to vector<16xf32>
        %swap3A_685 = vector.shape_cast %mul3A_680 : vector<16xf32> to vector<1x16xf32>
        tpu.vector_store %arg6[%swap3A_681, %swap3A_682], %swap3A_685 {strides = array<i32>} : memref<640x64xf32, #tpu.memory_space<vmem>>, vector<1x16xf32>,
        %get3A_686 = arith.index_cast %add3A_655 : i32 to index
        %get3A_687 = arith.constant 48 : index
        %get3A_688 = tpu.vector_load %arg6[%get3A_686, %get3A_687] {strides = array<i32>} : memref<640x64xf32, #tpu.memory_space<vmem>>, vector<1x16xf32>,
        %get3A_689 = vector.shape_cast %get3A_688 : vector<1x16xf32> to vector<16xf32>
        %mul3A_690 = arith.mulf %get3A_689, %broadcast_in_dim3A_651 : vector<16xf32>
        %swap3A_691 = arith.index_cast %add3A_655 : i32 to index
        %swap3A_692 = arith.constant 48 : index
        %swap3A_693 = tpu.vector_load %arg6[%swap3A_691, %swap3A_692] {strides = array<i32>} : memref<640x64xf32, #tpu.memory_space<vmem>>, vector<1x16xf32>,
        %swap3A_694 = vector.shape_cast %swap3A_693 : vector<1x16xf32> to vector<16xf32>
        %swap3A_695 = vector.shape_cast %mul3A_690 : vector<16xf32> to vector<1x16xf32>
        tpu.vector_store %arg6[%swap3A_691, %swap3A_692], %swap3A_695 {strides = array<i32>} : memref<640x64xf32, #tpu.memory_space<vmem>>, vector<1x16xf32>,
        %slice3A_696 = vector.extract_strided_slice %select_n3A {offsets = [14], sizes = [1], strides = [1]} : vector<16xf32> to vector<1xf32>
        %squeeze3A_697 = vector.extract %slice3A_696[0] : f32 from vector<1xf32>
        %broadcast_in_dim3A_698 = vector.broadcast %squeeze3A_697 : f32 to vector<16xf32>
        %mul3A_699 = arith.constant 16 : i32
        %mul3A_700 = arith.muli %scan3A_31, %mul3A_699 : i32
        %add3A_701 = arith.constant 14 : i32
        %add3A_702 = arith.addi %mul3A_700, %add3A_701 : i32
        %get3A_703 = arith.index_cast %add3A_702 : i32 to index
        %get3A_704 = arith.constant 0 : index
        %get3A_705 = tpu.vector_load %arg6[%get3A_703, %get3A_704] {strides = array<i32>} : memref<640x64xf32, #tpu.memory_space<vmem>>, vector<1x16xf32>,
        %get3A_706 = vector.shape_cast %get3A_705 : vector<1x16xf32> to vector<16xf32>
        %mul3A_707 = arith.mulf %get3A_706, %broadcast_in_dim3A_698 : vector<16xf32>
        %swap3A_708 = arith.index_cast %add3A_702 : i32 to index
        %swap3A_709 = arith.constant 0 : index
        %swap3A_710 = tpu.vector_load %arg6[%swap3A_708, %swap3A_709] {strides = array<i32>} : memref<640x64xf32, #tpu.memory_space<vmem>>, vector<1x16xf32>,
        %swap3A_711 = vector.shape_cast %swap3A_710 : vector<1x16xf32> to vector<16xf32>
        %swap3A_712 = vector.shape_cast %mul3A_707 : vector<16xf32> to vector<1x16xf32>
        tpu.vector_store %arg6[%swap3A_708, %swap3A_709], %swap3A_712 {strides = array<i32>} : memref<640x64xf32, #tpu.memory_space<vmem>>, vector<1x16xf32>,
        %get3A_713 = arith.index_cast %add3A_702 : i32 to index
        %get3A_714 = arith.constant 16 : index
        %get3A_715 = tpu.vector_load %arg6[%get3A_713, %get3A_714] {strides = array<i32>} : memref<640x64xf32, #tpu.memory_space<vmem>>, vector<1x16xf32>,
        %get3A_716 = vector.shape_cast %get3A_715 : vector<1x16xf32> to vector<16xf32>
        %mul3A_717 = arith.mulf %get3A_716, %broadcast_in_dim3A_698 : vector<16xf32>
        %swap3A_718 = arith.index_cast %add3A_702 : i32 to index
        %swap3A_719 = arith.constant 16 : index
        %swap3A_720 = tpu.vector_load %arg6[%swap3A_718, %swap3A_719] {strides = array<i32>} : memref<640x64xf32, #tpu.memory_space<vmem>>, vector<1x16xf32>,
        %swap3A_721 = vector.shape_cast %swap3A_720 : vector<1x16xf32> to vector<16xf32>
        %swap3A_722 = vector.shape_cast %mul3A_717 : vector<16xf32> to vector<1x16xf32>
        tpu.vector_store %arg6[%swap3A_718, %swap3A_719], %swap3A_722 {strides = array<i32>} : memref<640x64xf32, #tpu.memory_space<vmem>>, vector<1x16xf32>,
        %get3A_723 = arith.index_cast %add3A_702 : i32 to index
        %get3A_724 = arith.constant 32 : index
        %get3A_725 = tpu.vector_load %arg6[%get3A_723, %get3A_724] {strides = array<i32>} : memref<640x64xf32, #tpu.memory_space<vmem>>, vector<1x16xf32>,
        %get3A_726 = vector.shape_cast %get3A_725 : vector<1x16xf32> to vector<16xf32>
        %mul3A_727 = arith.mulf %get3A_726, %broadcast_in_dim3A_698 : vector<16xf32>
        %swap3A_728 = arith.index_cast %add3A_702 : i32 to index
        %swap3A_729 = arith.constant 32 : index
        %swap3A_730 = tpu.vector_load %arg6[%swap3A_728, %swap3A_729] {strides = array<i32>} : memref<640x64xf32, #tpu.memory_space<vmem>>, vector<1x16xf32>,
        %swap3A_731 = vector.shape_cast %swap3A_730 : vector<1x16xf32> to vector<16xf32>
        %swap3A_732 = vector.shape_cast %mul3A_727 : vector<16xf32> to vector<1x16xf32>
        tpu.vector_store %arg6[%swap3A_728, %swap3A_729], %swap3A_732 {strides = array<i32>} : memref<640x64xf32, #tpu.memory_space<vmem>>, vector<1x16xf32>,
        %get3A_733 = arith.index_cast %add3A_702 : i32 to index
        %get3A_734 = arith.constant 48 : index
        %get3A_735 = tpu.vector_load %arg6[%get3A_733, %get3A_734] {strides = array<i32>} : memref<640x64xf32, #tpu.memory_space<vmem>>, vector<1x16xf32>,
        %get3A_736 = vector.shape_cast %get3A_735 : vector<1x16xf32> to vector<16xf32>
        %mul3A_737 = arith.mulf %get3A_736, %broadcast_in_dim3A_698 : vector<16xf32>
        %swap3A_738 = arith.index_cast %add3A_702 : i32 to index
        %swap3A_739 = arith.constant 48 : index
        %swap3A_740 = tpu.vector_load %arg6[%swap3A_738, %swap3A_739] {strides = array<i32>} : memref<640x64xf32, #tpu.memory_space<vmem>>, vector<1x16xf32>,
        %swap3A_741 = vector.shape_cast %swap3A_740 : vector<1x16xf32> to vector<16xf32>
        %swap3A_742 = vector.shape_cast %mul3A_737 : vector<16xf32> to vector<1x16xf32>
        tpu.vector_store %arg6[%swap3A_738, %swap3A_739], %swap3A_742 {strides = array<i32>} : memref<640x64xf32, #tpu.memory_space<vmem>>, vector<1x16xf32>,
        %slice3A_743 = vector.extract_strided_slice %select_n3A {offsets = [15], sizes = [1], strides = [1]} : vector<16xf32> to vector<1xf32>
        %squeeze3A_744 = vector.extract %slice3A_743[0] : f32 from vector<1xf32>
        %broadcast_in_dim3A_745 = vector.broadcast %squeeze3A_744 : f32 to vector<16xf32>
        %mul3A_746 = arith.constant 16 : i32
        %mul3A_747 = arith.muli %scan3A_31, %mul3A_746 : i32
        %add3A_748 = arith.constant 15 : i32
        %add3A_749 = arith.addi %mul3A_747, %add3A_748 : i32
        %get3A_750 = arith.index_cast %add3A_749 : i32 to index
        %get3A_751 = arith.constant 0 : index
        %get3A_752 = tpu.vector_load %arg6[%get3A_750, %get3A_751] {strides = array<i32>} : memref<640x64xf32, #tpu.memory_space<vmem>>, vector<1x16xf32>,
        %get3A_753 = vector.shape_cast %get3A_752 : vector<1x16xf32> to vector<16xf32>
        %mul3A_754 = arith.mulf %get3A_753, %broadcast_in_dim3A_745 : vector<16xf32>
        %swap3A_755 = arith.index_cast %add3A_749 : i32 to index
        %swap3A_756 = arith.constant 0 : index
        %swap3A_757 = tpu.vector_load %arg6[%swap3A_755, %swap3A_756] {strides = array<i32>} : memref<640x64xf32, #tpu.memory_space<vmem>>, vector<1x16xf32>,
        %swap3A_758 = vector.shape_cast %swap3A_757 : vector<1x16xf32> to vector<16xf32>
        %swap3A_759 = vector.shape_cast %mul3A_754 : vector<16xf32> to vector<1x16xf32>
        tpu.vector_store %arg6[%swap3A_755, %swap3A_756], %swap3A_759 {strides = array<i32>} : memref<640x64xf32, #tpu.memory_space<vmem>>, vector<1x16xf32>,
        %get3A_760 = arith.index_cast %add3A_749 : i32 to index
        %get3A_761 = arith.constant 16 : index
        %get3A_762 = tpu.vector_load %arg6[%get3A_760, %get3A_761] {strides = array<i32>} : memref<640x64xf32, #tpu.memory_space<vmem>>, vector<1x16xf32>,
        %get3A_763 = vector.shape_cast %get3A_762 : vector<1x16xf32> to vector<16xf32>
        %mul3A_764 = arith.mulf %get3A_763, %broadcast_in_dim3A_745 : vector<16xf32>
        %swap3A_765 = arith.index_cast %add3A_749 : i32 to index
        %swap3A_766 = arith.constant 16 : index
        %swap3A_767 = tpu.vector_load %arg6[%swap3A_765, %swap3A_766] {strides = array<i32>} : memref<640x64xf32, #tpu.memory_space<vmem>>, vector<1x16xf32>,
        %swap3A_768 = vector.shape_cast %swap3A_767 : vector<1x16xf32> to vector<16xf32>
        %swap3A_769 = vector.shape_cast %mul3A_764 : vector<16xf32> to vector<1x16xf32>
        tpu.vector_store %arg6[%swap3A_765, %swap3A_766], %swap3A_769 {strides = array<i32>} : memref<640x64xf32, #tpu.memory_space<vmem>>, vector<1x16xf32>,
        %get3A_770 = arith.index_cast %add3A_749 : i32 to index
        %get3A_771 = arith.constant 32 : index
        %get3A_772 = tpu.vector_load %arg6[%get3A_770, %get3A_771] {strides = array<i32>} : memref<640x64xf32, #tpu.memory_space<vmem>>, vector<1x16xf32>,
        %get3A_773 = vector.shape_cast %get3A_772 : vector<1x16xf32> to vector<16xf32>
        %mul3A_774 = arith.mulf %get3A_773, %broadcast_in_dim3A_745 : vector<16xf32>
        %swap3A_775 = arith.index_cast %add3A_749 : i32 to index
        %swap3A_776 = arith.constant 32 : index
        %swap3A_777 = tpu.vector_load %arg6[%swap3A_775, %swap3A_776] {strides = array<i32>} : memref<640x64xf32, #tpu.memory_space<vmem>>, vector<1x16xf32>,
        %swap3A_778 = vector.shape_cast %swap3A_777 : vector<1x16xf32> to vector<16xf32>
        %swap3A_779 = vector.shape_cast %mul3A_774 : vector<16xf32> to vector<1x16xf32>
        tpu.vector_store %arg6[%swap3A_775, %swap3A_776], %swap3A_779 {strides = array<i32>} : memref<640x64xf32, #tpu.memory_space<vmem>>, vector<1x16xf32>,
        %get3A_780 = arith.index_cast %add3A_749 : i32 to index
        %get3A_781 = arith.constant 48 : index
        %get3A_782 = tpu.vector_load %arg6[%get3A_780, %get3A_781] {strides = array<i32>} : memref<640x64xf32, #tpu.memory_space<vmem>>, vector<1x16xf32>,
        %get3A_783 = vector.shape_cast %get3A_782 : vector<1x16xf32> to vector<16xf32>
        %mul3A_784 = arith.mulf %get3A_783, %broadcast_in_dim3A_745 : vector<16xf32>
        %swap3A_785 = arith.index_cast %add3A_749 : i32 to index
        %swap3A_786 = arith.constant 48 : index
        %swap3A_787 = tpu.vector_load %arg6[%swap3A_785, %swap3A_786] {strides = array<i32>} : memref<640x64xf32, #tpu.memory_space<vmem>>, vector<1x16xf32>,
        %swap3A_788 = vector.shape_cast %swap3A_787 : vector<1x16xf32> to vector<16xf32>
        %swap3A_789 = vector.shape_cast %mul3A_784 : vector<16xf32> to vector<1x16xf32>
        tpu.vector_store %arg6[%swap3A_785, %swap3A_786], %swap3A_789 {strides = array<i32>} : memref<640x64xf32, #tpu.memory_space<vmem>>, vector<1x16xf32>,
      }
      %scan3A_27 = arith.constant 40 : i32
      %mul3A_28 = arith.constant 6400 : i32
      %mul3A_29 = arith.muli %add3A, %mul3A_28 : i32
      %add3A_30 = arith.addi %mul3A_29, %mul3A_10 : i32
      "tpu.region"() ({
        %run_scoped3A = tpu.sem_alloc : memref<!tpu.dma_semaphore, #tpu.memory_space<semaphore_mem>>
        %dma_start3A = arith.constant 0 : i32
        %dma_start3A_31 = tpu.memref_slice %arg4[%add3A_30, %dma_start3A] : memref<204800x64xf32, #tpu.memory_space<hbm>> -> memref<640x64xf32, #tpu.memory_space<hbm>>
        %dma_start3A_32 = arith.constant 0 : i32
        %dma_start3A_33 = tpu.memref_slice %arg4[%add3A_30, %dma_start3A_32] : memref<204800x64xf32, #tpu.memory_space<hbm>> -> memref<640x64xf32, #tpu.memory_space<hbm>>
        tpu.enqueue_dma source(%arg6 : memref<640x64xf32, #tpu.memory_space<vmem>>) target(%dma_start3A_33 : memref<640x64xf32, #tpu.memory_space<hbm>>) target_semaphore(%run_scoped3A : memref<!tpu.dma_semaphore, #tpu.memory_space<semaphore_mem>>)
        %dma_wait3A_34 = arith.constant 0 : i32
        %dma_wait3A_35 = tpu.memref_slice %arg4[%add3A_30, %dma_wait3A_34] : memref<204800x64xf32, #tpu.memory_space<hbm>> -> memref<640x64xf32, #tpu.memory_space<hbm>>
        %dma_wait3A_36 = arith.constant 0 : i32
        %dma_wait3A_37 = tpu.memref_slice %arg4[%add3A_30, %dma_wait3A_36] : memref<204800x64xf32, #tpu.memory_space<hbm>> -> memref<640x64xf32, #tpu.memory_space<hbm>>
        tpu.wait_dma2 semaphore(%run_scoped3A : memref<!tpu.dma_semaphore, #tpu.memory_space<semaphore_mem>>) src(%arg6 : memref<640x64xf32, #tpu.memory_space<vmem>>) dst(%dma_wait3A_37 : memref<640x64xf32, #tpu.memory_space<hbm>>)
        tpu.yield
      }) : () -> ()
    }
    %scan3A_7 = arith.constant 10 : i32
    return
  }
}

</mosaic_0001>

<sc_bundles>
// kernel: kernel.3.cloned.1.call-start
scs
__scs_entry_jumppad:
0x0: {  	(pc) =	sbr.rel $0x88, $3  }
0x1: {  	(tag) =	ssettag $0x0;
	lr =	simm.s32 $0x1  }
0x2: {  	[smem:$0x3F9F] =	sst lr;
	_ =	strace $0xD0000000  }
0x3: {  	_ = 	snop  }
0x4: {  	_ = 	snop  }
0x5: {  	_ = 	snop  }
0x6: {  	_ = 	snop  }
0x7: {  	_ = 	snop  }
__scs_overlays_trampoline_lowered:
0x8: {  	[smem:$0x3FAE] =	sst s0  }
0x9: {  	[smem:$0x3FAF] =	sst s1  }
0xa: {  	[smem:$0x3FB0] =	sst s2  }
0xb: {  	[smem:$0x3FB1] =	sst s3  }
0xc: {  	[smem:$0x3FB2] =	sst s4  }
0xd: {  	[smem:$0x3FB3] =	sst s5  }
0xe: {  	[smem:$0x3FB4] =	sst s6  }
0xf: {  	[smem:$0x3FB5] =	sst s7  }
0x10: {  	[smem:$0x3FB6] =	sst s8  }
0x11: {  	[smem:$0x3FB7] =	sst s9;
	s0 =	simm.s32 @!p0 $0x0  }
0x12: {  	s1 =	sld [smem:$0x3F9D];
	s0 =	simm.s32 @p0 $0x1  }
0x13: {  	[smem:$0x3FB8] =	sst s0;
	s0 =	simm.s32 @!p1 $0x0  }
0x14: {  	s2 =	sld [smem:$0x3F9C];
	s0 =	simm.s32 @p1 $0x1  }
0x15: {  	[smem:$0x3FB9] =	sst s0;
	s0 =	simm.s32 @!p2 $0x0  }
0x16: {  	s3 =	sld [smem:$0x3FDB];
	s0 =	simm.s32 @p2 $0x1  }
0x17: {  	s4 =	simm.s32 $0x1BF5;
	[smem:$0x3FBB] =	sst s0  }
0x18: {  	s0 =	sld [smem:$0x3F9E];
	_ =	swait.ge [sflag:s4], $0x0  }
0x19: {  	s7 =	sld [smem:$0x3F9F]  }
0x1a: {  	s8 =	sadd.s32 $0xFFFFE003, lr  }
0x1b: {  	s9 =	sadd.s32 $0xFFFFFEF7, lr;
	s5 =	simm.s32 $0xFFFFFFFF;
	p2 =	slt.u32 s8, $0xFFFFF086  }
0x1c: {  	p1 =	slt.u32 s9, $0xF7A;
	s5 =	simm.s32 @!p2 $0x0  }
0x1d: {  	s5 =	simm.s32 @p1 $0x1;
	p0 =	seq.s32 s7, s2  }
0x1e: {  	s7 =	smul.u32 @!p0 $0xF7A, s2;
	p2 =	seq.s32 @!p0 s5, $0x0  }
0x1f: {  	s9 =	smul.u32 $0xF7A, s1;
	s8 =	simm.s32 @!p0 $0x1BF5;
	p2 =	por !p2, p0  }
0x20: {  	[sflag:s8] =	ssyncset.s32 @!p0 $0xFFFFF086;
	s6 =	sadd.s32 @!p0 s3, s7;
	s7 =	simm.s32 @!p0 $0x108  }
0x21: {  	s3 =	sadd.s32 s3, s9;
	s6 =	sadd.s32 @!p0 $0x88, s6;
	s7 =	simm.s32 @p2 $0x1082  }
0x22: {  	[simem:s7], [sflag:s8] =	dma.local @!p0 [hbm:s6], $0xF7A  }
0x23: {  	s9 =	sor.u32 $0xD0000000, s2;
	s6 =	simm.s32 $0x108;
	_ =	swait.ge @!p0 [sflag:s8], $0x0  }
0x24: {  	s3 =	sadd.s32 $0x88, s3;
	s6 =	simm.s32 @!p1 $0x1082;
	[sflag:s4] =	ssyncset.s32 $0xFFFFF086  }
0x25: {  	[simem:s6], [sflag:s4] =	dma.local [hbm:s3], $0xF7A  }
0x26: {  	[smem:$0x3F9F] =	sst s1;
	(tag) =	ssettag s2;
	_ =	strace s9  }
0x27: {  	s1 =	sld [smem:$0x3FAF]  }
0x28: {  	s2 =	sld [smem:$0x3FB0]  }
0x29: {  	s4 =	sld [smem:$0x3FB2]  }
0x2a: {  	p0 =	seq.s32 s5, $0x0;
	s5 =	sld [smem:$0x3FB3]  }
0x2b: {  	s6 =	sld [smem:$0x3FB4]  }
0x2c: {  	s7 =	sld [smem:$0x3FB5]  }
0x2d: {  	s3 =	simm.s32 $0x108;
	s8 =	sld [smem:$0x3FB6]  }
0x2e: {  	s3 =	simm.s32 @!p0 $0x1082;
	s9 =	sld [smem:$0x3FB7]  }
0x2f: {  	lr =	sadd.s32 s0, s3;
	s0 =	sld [smem:$0x3FAE]  }
0x30: {  	s3 =	sld [smem:$0x3FB1]  }
0x31: {  	[smem:$0x3FBA] =	sst s10  }
0x32: {  	s10 =	sld [smem:$0x3FB8];
	_ =	sdelay $0x3  }
0x33: {  	p0 =	seq.s32 s10, $0x1;
	s10 =	sld [smem:$0x3FBA];
	_ =	sdelay $0x3  }
0x34: {  	[smem:$0x3FBA] =	sst s10  }
0x35: {  	s10 =	sld [smem:$0x3FB9];
	_ =	sdelay $0x3  }
0x36: {  	p1 =	seq.s32 s10, $0x1;
	s10 =	sld [smem:$0x3FBA];
	_ =	sdelay $0x3  }
0x37: {  	[smem:$0x3FBA] =	sst s10  }
0x38: {  	s10 =	sld [smem:$0x3FBB]  }
0x39: {  	_ = 	snop;
	(pc) =	sbr.ind lr, $3  }
0x3a: {  	_ = 	snop  }
0x3b: {  	_ = 	snop  }
0x3c: {  	p2 =	seq.s32 s10, $0x1;
	s10 =	sld [smem:$0x3FBA]  }
0x3d: {  	_ =	shalt  }
0x3e: {  	_ =	shalt  }
0x3f: {  	_ =	shalt  }
0x40: {  	_ =	shalt  }
0x41: {  	_ =	shalt  }
0x42: {  	_ =	shalt  }
0x43: {  	_ =	shalt  }
0x44: {  	_ =	shalt  }
0x45: {  	_ =	shalt  }
0x46: {  	_ =	shalt  }
0x47: {  	_ =	shalt  }
0x48: {  	_ =	shalt  }
0x49: {  	_ =	shalt  }
0x4a: {  	_ =	shalt  }
0x4b: {  	_ =	shalt  }
0x4c: {  	_ =	shalt  }
0x4d: {  	_ =	shalt  }
0x4e: {  	_ =	shalt  }
0x4f: {  	_ =	shalt  }
0x50: {  	_ =	shalt  }
0x51: {  	_ =	shalt  }
0x52: {  	_ =	shalt  }
0x53: {  	_ =	shalt  }
0x54: {  	_ =	shalt  }
0x55: {  	_ =	shalt  }
0x56: {  	_ =	shalt  }
0x57: {  	_ =	shalt  }
0x58: {  	_ =	shalt  }
0x59: {  	_ =	shalt  }
0x5a: {  	_ =	shalt  }
0x5b: {  	_ =	shalt  }
0x5c: {  	_ =	shalt  }
0x5d: {  	_ =	shalt  }
0x5e: {  	_ =	shalt  }
0x5f: {  	_ =	shalt  }
0x60: {  	_ =	shalt  }
0x61: {  	_ =	shalt  }
0x62: {  	_ =	shalt  }
0x63: {  	_ =	shalt  }
0x64: {  	_ =	shalt  }
0x65: {  	_ =	shalt  }
0x66: {  	_ =	shalt  }
0x67: {  	_ =	shalt  }
0x68: {  	_ =	shalt  }
0x69: {  	_ =	shalt  }
0x6a: {  	_ =	shalt  }
0x6b: {  	_ =	shalt  }
0x6c: {  	_ =	shalt  }
0x6d: {  	_ =	shalt  }
0x6e: {  	_ =	shalt  }
0x6f: {  	_ =	shalt  }
0x70: {  	_ =	shalt  }
0x71: {  	_ =	shalt  }
0x72: {  	_ =	shalt  }
0x73: {  	_ =	shalt  }
0x74: {  	_ =	shalt  }
0x75: {  	_ =	shalt  }
0x76: {  	_ =	shalt  }
0x77: {  	_ =	shalt  }
0x78: {  	_ =	shalt  }
0x79: {  	_ =	shalt  }
0x7a: {  	_ =	shalt  }
0x7b: {  	_ =	shalt  }
0x7c: {  	_ =	shalt  }
0x7d: {  	_ =	shalt  }
0x7e: {  	_ =	shalt  }
0x7f: {  	_ =	shalt  }
0x80: {  	_ =	shalt  }
0x81: {  	_ =	shalt  }
0x82: {  	_ =	shalt  }
0x83: {  	_ =	shalt  }
0x84: {  	_ =	shalt  }
0x85: {  	_ =	shalt  }
0x86: {  	_ =	shalt  }
0x87: {  	_ =	shalt  }
.Lfunc_end0:
.L_simem_size_0:
called_computation.1_lowered:
.L_overlay_start_0:
0x88: {  	s2 =	sld [smem:$0x3FD9]  }
0x89: {  	s3 =	sld [smem:$0x3FFE];
	_ =	sdelay $0x1  }
0x8a: {  	s1 =	srdreg.scid  }
0x8b: {  	s0 =	sand.u32 $0x1, s1  }
0x8c: {  	s17 =	sshll.u32 s0, $0xA;
	s2 =	sadd.s32 s3, s2  }
0x8d: {  	s2 =	sadd.s32 s2, s17  }
0x8e: {  	[smem:$0x3FC6] =	sst s2  }
0x8f: {  	_ = 	snop  }
0x90: {  	s2 =	sld [smem:$0x3FD0];
	(tm) =	ssettm $0x1  }
0x91: {  	s18 =	sld [smem:$0x3FFB];
	_ =	sdelay $0x3  }
0x92: {  	_ =	strace s18  }
0x93: {  	s3 =	sld [smem:$0x3FFC];
	_ =	sdelay $0x3  }
0x94: {  	_ =	strace s3  }
0x95: {  	s3 =	sld [smem:$0x3FFD];
	_ =	sdelay $0x3  }
0x96: {  	_ =	strace s3  }
0x97: {  	_ =	strace $0x8FFFFFFF  }
0x98: {  	s19 =	sld [smem:$0x3FDB];
	_ =	sdelay $0x1  }
0x99: {  	s4 =	simm.s32 $_scs_section_size  }
0x9a: {  	s5 =	simm.s32 $_size__tile_overlayer_lowered;
	s6 =	simm.s32 $_tile_overlayer_lowered  }
0x9b: {  	s22 =	simm.s32 $0x1BFF;
	s21 =	sshll.u32 s6, $0x1;
	s3 =	sadd.s32 s4, s19  }
0x9c: {  	s7 =	simm.s32 $0x0;
	s20 =	sshll.u32 s5, $0x1;
	s5 =	sadd.s32 s21, s3  }
0x9d: {  	[timem:s7], [sflag:s22] =	dma.local [hbm:s5], s20  }
0x9e: {  	_ =	swait.ge [sflag:s22], s20  }
0x9f: {  	s4 =	ssub.s32 $0x0, s20;
	[sflag:s22] =	ssyncset.done $0x0  }
0xa0: {  	[sflag:s22] =	ssyncadd.s32 s4;
	_ =	sdelay $0x1  }
0xa1: {  	s23 =	simm.s32 $0x1B8B  }
0xa2: {  	_ =	swait.ge [sflag:s23], $0x1  }
0xa3: {  	[sflag:s23] =	ssyncset.done $0x0  }
0xa4: {  	s25 =	simm.s32 $0x1B8E;
	s24 =	sld [smem:$0x3FFE];
	[sflag:s23] =	ssyncadd.s32 $0xFFFFFFFF  }
0xa5: {  	s26 =	simm.s32 $execute0_lowered;
	[smem:$0x3FD2] =	sst s25  }
0xa6: {  	s5 =	sshll.u32 s26, $0x1;
	_ =	strace $0x80000046;
	[dreg:$0x1] =	wrdreg $0xFFFFFFFF  }
0xa7: {  	s28 =	simm.s32 $_size_execute0_lowered;
	s3 =	sadd.s32 s3, s5;
	[dreg:$0x0] =	wrdreg $0x0  }
0xa8: {  	s5 =	sshll.u32 s28, $0x1;
	[dreg:$0x2] =	wrdreg s3  }
0xa9: {  	[dreg:$0x3] =	wrdreg s5  }
0xaa: {  	[dreg:$0x4] =	wrdreg $0xC0  }
0xab: {  	_ =	task [dreg:s7], $0x5FFFF  }
0xac: {  	[dreg:$0x1] =	wrdreg $0xFFFFFFFF  }
0xad: {  	[dreg:$0x0] =	wrdreg $0x60  }
0xae: {  	[dreg:$0x2] =	wrdreg s2  }
0xaf: {  	[dreg:$0x3] =	wrdreg s24  }
0xb0: {  	[dreg:$0x4] =	wrdreg $0x9  }
0xb1: {  	_ =	task.clear_ibuf [dreg:s7], $0x5FFFF;
	_ =	strace $0x90000046  }
0xb2: {  	s29 =	simm.s32 $0x9;
	_ =	strace $0x80000048  }
0xb3: {  	_ =	swait.ge [sflag:s29], $0x1  }
0xb4: {  	[sflag:s29] =	ssyncadd.s32 $0xFFFFFFFF  }
0xb5: {  	_ =	strace $0x90000048  }
0xb6: {  	_ =	sfence  }
0xb7: {  	s30 =	sld [smem:$0x0];
	_ =	sdelay $0x2  }
0xb8: {  	s31 =	sshll.u32 s1, $0xD;
	s1 =	sshrl.u32 s1, $0x2  }
0xb9: {  	s3 =	sand.u32 $0x4000, s31;
	s1 =	sadd.s32 s1, s30  }
0xba: {  	s0 =	sor.u32 s3, s0;
	s1 =	sshll.u32 s1, $0x11  }
0xbb: {  	s0 =	sor.u32 s1, s0  }
0xbc: {  	s0 =	sadd.s32 $0x8F2B, s0  }
0xbd: {  	[sflag:s0] =	ssyncadd.remote.s32 $0x1  }
0xbe: {  	_ =	sfence.sel $0xFFFF  }
0xbf: {  	[dreg:$0x0] =	wrdreg $0xFFFFFFFF;
	(pc) =	sbr.abs _section_cstart, $3  }
0xc0: {  	[dreg:$0x1] =	wrdreg $0xFFFFFFFF  }
0xc1: {  	_ =	task.clear_ibuf [dreg:s7], $0x2FFFF;
	_ =	strace $0x9FFFFFFF  }
0xc2: {  	(tm) =	ssettm $0x7FFFFFFF  }
0xc3: {  	_ =	shalt  }
tec
execute0_lowered:
.L_overlay_start_1:
0x0: {  	(tag) =	ssettag $0x1  }
0x1: {  	s6 =	rddreg [dreg:$0x0];
	s1 =	srdreg.scid  }
0x2: {  	s0 =	stileid.u32;
	s5 =	rddreg [dreg:$0x1];
	s2 =	simm.s32 $0x0  }
0x3: {  	s9 =	simm.s32 $0x1;
	s3 =	sand.u32 $0x1, s1;
	s4 =	sshll.u32 s0, $0x1  }
0x4: {  	[smem:$0x7FF] =	sst s2;
	s4 =	sor.u32 s3, s4;
	s7 =	ssub.s32 $0x2, s3  }
0x5: {  	s29 =	sadd.s32 $0xF42C00, s5;
	s28 =	smul.u32 $0x1900, s4;
	s8 =	sshrl.u32 s7, $0x1  }
0x6: {  	_ =	strace $0x80000047;
	[dreg:$0x4] =	wrdreg s29;
	s7 =	ssub.s32 s7, s8  }
0x7: {  	[dreg:$0x3] =	wrdreg s28;
	s30 =	sshrl.u32 s28, $0x3;
	s31 =	smax.u32 s7, $0x1  }
0x8: {  	s1 =	simm.s32 $0x0;
	s0 =	sadd.s32 s6, s30;
	[dreg:$0x6] =	wrdreg s31  }
0x9: {  	v0 =	vimm.f32 $8.000000000e+00;
	s4 =	sadd.s32 $0x800, s5;
	s8 =	simm.s32 $0x2;
	[dreg:$0x5] =	wrdreg s0  }
.LBB2_1:
0xa: {  	[dreg:$0x7] =	wrdreg s1  }
0xb: {  	s0 =	rddreg [dreg:$0x5]  }
0xc: {  	[tilespmem:s2], [sflag:$0x2] =	stream.linear.gather [hbm4b:s0+s2], $0x1900, $0x38;
	[tilespmem:$0x15900] =	vst v63  }
0xd: {  	_ =	swait.ge [sflag:s8], $0x1900  }
0xe: {  	[sflag:s8] =	ssyncset.done $0x0  }
0xf: {  	s12 =	simm.s32 $0x0;
	s13 =	simm.s32 $0x0;
	[sflag:s8] =	ssyncadd.s32 $0xFFFFE700  }
.LBB2_2:
0x10: {  	s14 =	simm.s32 $0x0;
	s15 =	sadd.s32 $0x0, s12  }
0x11: {  	s15 =	sand.u32 $0x7F80, s15;
	s14 =	sand.u32 $0x70, s14  }
0x12: {  	s14 =	sor.u32 s14, s15  }
0x13: {  	v1 =	vld [tilespmem:s14+$0x0];
	_ =	sdelay $0x4  }
0x14: {  	v1 =	vshll.u32 v1, $0x4  }
0x15: {  	(v2sf) =	vpush v1, $0x0  }
0x16: {  	(v2sf) =	vpush v1, $0x1  }
0x17: {  	(v2sf) =	vpush v1, $0x2;
	_ =	sdelay $0x1  }
0x18: {  	(v2sf) =	vpush v1, $0x3;
	_ =	sdelay $0x2  }
0x19: {  	(v2sf) =	vpush v1, $0x4;
	_ =	sdelay $0x1  }
0x1a: {  	(v2sf) =	vpush v1, $0x5;
	_ =	sdelay $0x1  }
0x1b: {  	(v2sf) =	vpush v1, $0x6;
	_ =	sdelay $0x1  }
0x1c: {  	s16 =	simm.s32 $0x4000;
	s17 =	simm.s32 $0x10;
	s20 =	sadd.s32 $0x10, s12  }
0x1d: {  	s18 =	simm.s32 $0x0;
	s19 =	simm.s32 $0x1980;
	s23 =	simm.s32 $0x1C00  }
0x1e: {  	s24 =	simm.s32 $0x1C80;
	s25 =	simm.s32 $0x1900;
	s21 =	spop (v2sf);
	(v2sf) =	vpush v1, $0x7  }
0x1f: {  	s11 =	simm.s32 $0x1B00;
	s21 =	sand.u32 $0x1FFFFFF0, s21;
	s22 =	spop (v2sf)  }
0x20: {  	s28 =	simm.s32 $0x1A00;
	(v2sf) =	vpush v1, $0x8;
	s21 =	sadd.s32 s4, s21;
	s26 =	spop (v2sf)  }
0x21: {  	(v2sf) =	vpush v1, $0x9;
	[tilespmem:s25], [sflag:$0x1] =	stream.linear.gather [hbm4b:s21+s2], $0x80, $0x38;
	[tilespmem:$0x15900] =	vst v63  }
0x22: {  	s30 =	simm.s32 $0x1A80;
	s22 =	sand.u32 $0x1FFFFFF0, s22;
	s29 =	spop (v2sf);
	(v2sf) =	vpush v1, $0xA  }
0x23: {  	s3 =	simm.s32 $0x1B80;
	s22 =	sadd.s32 s4, s22;
	s21 =	sand.u32 $0x1FFFFFF0, s26  }
0x24: {  	[tilespmem:s19], [sflag:$0x1] =	stream.linear.gather [hbm4b:s22+s2], $0x80, $0x38;
	[tilespmem:$0x15900] =	vst v63  }
0x25: {  	s26 =	spop (v2sf);
	s21 =	sadd.s32 s4, s21;
	s22 =	sand.u32 $0x1FFFFFF0, s29  }
0x26: {  	[tilespmem:s28], [sflag:$0x1] =	stream.linear.gather [hbm4b:s21+s2], $0x80, $0x38;
	[tilespmem:$0x15900] =	vst v63  }
0x27: {  	(v2sf) =	vpush v1, $0xB;
	s26 =	sand.u32 $0x1FFFFFF0, s26;
	s0 =	spop (v2sf);
	s31 =	sadd.s32 s4, s22  }
0x28: {  	[tilespmem:s30], [sflag:$0x1] =	stream.linear.gather [hbm4b:s31+s2], $0x80, $0x38;
	[tilespmem:$0x15900] =	vst v63  }
0x29: {  	s1 =	sadd.s32 s4, s26;
	s19 =	sand.u32 $0x1FFFFFF0, s0;
	s5 =	spop (v2sf)  }
0x2a: {  	[tilespmem:s11], [sflag:$0x1] =	stream.linear.gather [hbm4b:s1+s2], $0x80, $0x38;
	[tilespmem:$0x15900] =	vst v63  }
0x2b: {  	s20 =	sand.u32 $0x7F80, s20;
	(v2sf) =	vpush v1, $0xC;
	s26 =	sand.u32 $0x1FFFFFF0, s5;
	s19 =	sadd.s32 s4, s19  }
0x2c: {  	[tilespmem:s3], [sflag:$0x1] =	stream.linear.gather [hbm4b:s19+s2], $0x80, $0x38;
	[tilespmem:$0x15900] =	vst v63  }
0x2d: {  	s15 =	simm.s32 $0x2000;
	s26 =	sadd.s32 s4, s26;
	s6 =	spop (v2sf);
	(v2sf) =	vpush v1, $0xD  }
0x2e: {  	[tilespmem:s23], [sflag:$0x1] =	stream.linear.gather [hbm4b:s26+s2], $0x80, $0x38;
	[tilespmem:$0x15900] =	vst v63  }
0x2f: {  	s14 =	smul.u32 $0x280, s13;
	s22 =	simm.s32 $0x1E80;
	s10 =	spop (v2sf);
	(v2sf) =	vpush v1, $0xE  }
0x30: {  	s21 =	simm.s32 $0x1E00;
	s28 =	simm.s32 $0x1D00;
	s11 =	spop (v2sf)  }
0x31: {  	s30 =	simm.s32 $0x1D80;
	s7 =	sand.u32 $0x1FFFFFF0, s6;
	s31 =	spop (v2sf);
	(v2sf) =	vpush v1, $0xF  }
0x32: {  	s19 =	simm.s32 $0x2080;
	s25 =	sand.u32 $0x1FFFFFF0, s10;
	s23 =	sadd.s32 s4, s7  }
0x33: {  	[tilespmem:s24], [sflag:$0x1] =	stream.linear.gather [hbm4b:s23+s2], $0x80, $0x38;
	[tilespmem:$0x15900] =	vst v63  }
0x34: {  	s29 =	sand.u32 $0x1FFFFFF0, s11;
	s25 =	sadd.s32 s4, s25;
	s23 =	simm.s32 $0x1F80  }
0x35: {  	[tilespmem:s28], [sflag:$0x1] =	stream.linear.gather [hbm4b:s25+s2], $0x80, $0x38;
	[tilespmem:$0x15900] =	vst v63  }
0x36: {  	s24 =	sadd.s32 s4, s29;
	s25 =	sand.u32 $0x1FFFFFF0, s31;
	s28 =	spop (v2sf)  }
0x37: {  	[tilespmem:s30], [sflag:$0x1] =	stream.linear.gather [hbm4b:s24+s2], $0x80, $0x38;
	[tilespmem:$0x15900] =	vst v63  }
0x38: {  	s26 =	sadd.s32 s4, s25;
	s25 =	sand.u32 $0x1FFFFFF0, s28;
	s24 =	simm.s32 $0x1F00  }
.LBB2_3:
0x39: {  	p0 =	sne.s32 s16, $0x4E000  }
0x3a: {  	s28 =	sand.u32 $0x70, s17;
	s29 =	spop (v2sf);
	s30 =	smov.u32 s16  }
0x3b: {  	[tilespmem:s21], [sflag:$0x1] =	stream.linear.gather [hbm4b:s26+s2], $0x80, $0x38;
	[tilespmem:$0x15900] =	vst v63  }
0x3c: {  	s21 =	sadd.s32 s4, s25;
	s25 =	sand.u32 $0x1FFFFFF0, s29;
	s26 =	spop (v2sf)  }
0x3d: {  	[tilespmem:s22], [sflag:$0x1] =	stream.linear.gather [hbm4b:s21+s2], $0x80, $0x38;
	[tilespmem:$0x15900] =	vst v63  }
0x3e: {  	s21 =	sadd.s32 s4, s25;
	s22 =	sand.u32 $0x1FFFFFF0, s26;
	s25 =	spop (v2sf)  }
0x3f: {  	[tilespmem:s24], [sflag:$0x1] =	stream.linear.gather [hbm4b:s21+s2], $0x80, $0x38;
	[tilespmem:$0x15900] =	vst v63  }
0x40: {  	s21 =	sadd.s32 s4, s22;
	s22 =	sand.u32 $0x1FFFFFF0, s25;
	s24 =	spop (v2sf)  }
0x41: {  	[tilespmem:s23], [sflag:$0x1] =	stream.linear.gather [hbm4b:s21+s2], $0x80, $0x38;
	[tilespmem:$0x15900] =	vst v63  }
0x42: {  	s18 =	sadd.s32 $0x2000, s18;
	s21 =	sadd.s32 s4, s22;
	s22 =	sand.u32 $0x1FFFFFF0, s24  }
0x43: {  	[tilespmem:s18], [sflag:$0x1] =	stream.linear.gather [hbm4b:s21+s2], $0x80, $0x38;
	[tilespmem:$0x15900] =	vst v63  }
0x44: {  	s16 =	sadd.s32 $0x2000, s16;
	s18 =	sor.u32 s28, s20;
	s20 =	sadd.s32 s4, s22  }
0x45: {  	[tilespmem:s19], [sflag:$0x1] =	stream.linear.gather [hbm4b:s20+s2], $0x80, $0x38;
	[tilespmem:$0x15900] =	vst v63  }
0x46: {  	v1 =	vld [tilespmem:s18+$0x0];
	_ =	sdelay $0x4  }
0x47: {  	v1 =	vshll.u32 v1, $0x4  }
0x48: {  	(v2sf) =	vpush v1, $0x0  }
0x49: {  	(v2sf) =	vpush v1, $0x1  }
0x4a: {  	(v2sf) =	vpush v1, $0x2  }
0x4b: {  	(v2sf) =	vpush v1, $0x3;
	_ =	sdelay $0x1  }
0x4c: {  	(v2sf) =	vpush v1, $0x4;
	_ =	sdelay $0x1  }
0x4d: {  	s17 =	sadd.s32 $0x10, s17;
	(v2sf) =	vpush v1, $0x5  }
0x4e: {  	s20 =	sadd.s32 s17, s12;
	s18 =	sshra.s32 s15, $0x2;
	s15 =	smov.u32 s30  }
0x4f: {  	s31 =	sadd.s32 $0x1980, s18;
	s26 =	sadd.s32 $0x1C00, s18;
	s25 =	sadd.s32 $0x1C80, s18;
	(v2sf) =	vpush v1, $0x6  }
0x50: {  	s1 =	sadd.s32 $0x1900, s18;
	s0 =	sadd.s32 $0x1B00, s18;
	s21 =	sadd.s32 $0x1E00, s18  }
0x51: {  	s30 =	sadd.s32 $0x1B80, s18;
	s22 =	sadd.s32 $0x1E80, s18;
	s19 =	sadd.s32 $0x2080, s18;
	(v2sf) =	vpush v1, $0x7  }
0x52: {  	s20 =	sand.u32 $0x7F80, s20;
	s28 =	sadd.s32 $0x1D00, s18;
	s24 =	sadd.s32 $0x1F00, s18  }
0x53: {  	s23 =	sadd.s32 $0x1F80, s18;
	(v2sf) =	vpush v1, $0x8  }
0x54: {  	s29 =	sadd.s32 $0x1D80, s18  }
0x55: {  	s6 =	sadd.s32 $0x1A80, s18;
	s7 =	spop (v2sf);
	(v2sf) =	vpush v1, $0x9  }
0x56: {  	s7 =	sand.u32 $0x1FFFFFF0, s7;
	s11 =	spop (v2sf)  }
0x57: {  	s10 =	sadd.s32 $0x1A00, s18;
	s11 =	sand.u32 $0x1FFFFFF0, s11;
	s3 =	spop (v2sf);
	(v2sf) =	vpush v1, $0xA  }
0x58: {  	s7 =	sadd.s32 s4, s7;
	s3 =	sand.u32 $0x1FFFFFF0, s3;
	s5 =	spop (v2sf)  }
0x59: {  	[tilespmem:s1], [sflag:$0x1] =	stream.linear.gather [hbm4b:s7+s2], $0x80, $0x38;
	(v2sf) =	vpush v1, $0xB;
	[tilespmem:$0x15900] =	vst v63  }
0x5a: {  	s1 =	sadd.s32 s4, s11;
	s5 =	sand.u32 $0x1FFFFFF0, s5;
	s7 =	spop (v2sf)  }
0x5b: {  	[tilespmem:s31], [sflag:$0x1] =	stream.linear.gather [hbm4b:s1+s2], $0x80, $0x38;
	[tilespmem:$0x15900] =	vst v63  }
0x5c: {  	s1 =	sadd.s32 s4, s3;
	s3 =	sand.u32 $0x1FFFFFF0, s7;
	s7 =	spop (v2sf)  }
0x5d: {  	[tilespmem:s10], [sflag:$0x1] =	stream.linear.gather [hbm4b:s1+s2], $0x80, $0x38;
	(v2sf) =	vpush v1, $0xC;
	[tilespmem:$0x15900] =	vst v63  }
0x5e: {  	s1 =	sadd.s32 s4, s5;
	s5 =	sand.u32 $0x1FFFFFF0, s7;
	s7 =	spop (v2sf)  }
0x5f: {  	[tilespmem:s6], [sflag:$0x1] =	stream.linear.gather [hbm4b:s1+s2], $0x80, $0x38;
	(v2sf) =	vpush v1, $0xD;
	[tilespmem:$0x15900] =	vst v63  }
0x60: {  	s1 =	sadd.s32 s4, s3;
	s3 =	sand.u32 $0x1FFFFFF0, s7;
	s6 =	spop (v2sf)  }
0x61: {  	[tilespmem:s0], [sflag:$0x1] =	stream.linear.gather [hbm4b:s1+s2], $0x80, $0x38;
	(v2sf) =	vpush v1, $0xE;
	[tilespmem:$0x15900] =	vst v63  }
0x62: {  	s0 =	sadd.s32 s4, s5;
	s1 =	sand.u32 $0x1FFFFFF0, s6;
	s5 =	spop (v2sf)  }
0x63: {  	[tilespmem:s30], [sflag:$0x1] =	stream.linear.gather [hbm4b:s0+s2], $0x80, $0x38;
	(v2sf) =	vpush v1, $0xF;
	[tilespmem:$0x15900] =	vst v63  }
0x64: {  	s0 =	sadd.s32 s4, s3;
	s3 =	sand.u32 $0x1FFFFFF0, s5;
	s5 =	spop (v2sf)  }
0x65: {  	[tilespmem:s26], [sflag:$0x1] =	stream.linear.gather [hbm4b:s0+s2], $0x80, $0x38;
	[tilespmem:$0x15900] =	vst v63  }
0x66: {  	s0 =	sadd.s32 s4, s1;
	s1 =	sand.u32 $0x1FFFFFF0, s5;
	s5 =	spop (v2sf)  }
0x67: {  	[tilespmem:s25], [sflag:$0x1] =	stream.linear.gather [hbm4b:s0+s2], $0x80, $0x38;
	[tilespmem:$0x15900] =	vst v63  }
.Ltmp0:
0x68: {  	_ = 	snop;
	(pc) =	sbr.rel @p0 .LBB2_3-.Ltmp0, $4  }
0x69: {  	s0 =	sadd.s32 s4, s3;
	s3 =	sand.u32 $0x1FFFFFF0, s5;
	s5 =	spop (v2sf)  }
0x6a: {  	[tilespmem:s28], [sflag:$0x1] =	stream.linear.gather [hbm4b:s0+s2], $0x80, $0x38;
	[tilespmem:$0x15900] =	vst v63  }
0x6b: {  	s26 =	sadd.s32 s4, s3;
	s0 =	sadd.s32 s4, s1;
	s25 =	sand.u32 $0x1FFFFFF0, s5  }
0x6c: {  	[tilespmem:s29], [sflag:$0x1] =	stream.linear.gather [hbm4b:s0+s2], $0x80, $0x38;
	[tilespmem:$0x15900] =	vst v63  }
0x6d: {  	s0 =	sand.u32 $0x70, s17;
	s1 =	spop (v2sf)  }
0x6e: {  	[tilespmem:s21], [sflag:$0x1] =	stream.linear.gather [hbm4b:s26+s2], $0x80, $0x38;
	[tilespmem:$0x15900] =	vst v63  }
0x6f: {  	s3 =	sadd.s32 s4, s25;
	s1 =	sand.u32 $0x1FFFFFF0, s1;
	s5 =	spop (v2sf)  }
0x70: {  	[tilespmem:s22], [sflag:$0x1] =	stream.linear.gather [hbm4b:s3+s2], $0x80, $0x38;
	[tilespmem:$0x15900] =	vst v63  }
0x71: {  	s1 =	sadd.s32 s4, s1;
	s7 =	sand.u32 $0x1FFFFFF0, s5;
	s10 =	spop (v2sf)  }
0x72: {  	[tilespmem:s24], [sflag:$0x1] =	stream.linear.gather [hbm4b:s1+s2], $0x80, $0x38;
	[tilespmem:$0x15900] =	vst v63  }
0x73: {  	s11 =	sadd.s32 s4, s7;
	s16 =	sand.u32 $0x1FFFFFF0, s10;
	s17 =	spop (v2sf)  }
0x74: {  	[tilespmem:s23], [sflag:$0x1] =	stream.linear.gather [hbm4b:s11+s2], $0x80, $0x38;
	[tilespmem:$0x15900] =	vst v63  }
0x75: {  	s21 =	sadd.s32 $0x2000, s18;
	s3 =	sadd.s32 s4, s16;
	s5 =	sand.u32 $0x1FFFFFF0, s17  }
0x76: {  	[tilespmem:s21], [sflag:$0x1] =	stream.linear.gather [hbm4b:s3+s2], $0x80, $0x38;
	[tilespmem:$0x15900] =	vst v63  }
0x77: {  	s0 =	sor.u32 s0, s20;
	s22 =	sadd.s32 s4, s5  }
0x78: {  	[tilespmem:s19], [sflag:$0x1] =	stream.linear.gather [hbm4b:s22+s2], $0x80, $0x38;
	[tilespmem:$0x15900] =	vst v63  }
0x79: {  	v1 =	vld [tilespmem:s0+$0x0];
	_ =	sdelay $0x4  }
0x7a: {  	v1 =	vshll.u32 v1, $0x4  }
0x7b: {  	(v2sf) =	vpush v1, $0x0  }
0x7c: {  	(v2sf) =	vpush v1, $0x1  }
0x7d: {  	(v2sf) =	vpush v1, $0x2;
	_ =	sdelay $0x1  }
0x7e: {  	(v2sf) =	vpush v1, $0x3;
	_ =	sdelay $0x1  }
0x7f: {  	(v2sf) =	vpush v1, $0x4;
	_ =	sdelay $0x1  }
0x80: {  	(v2sf) =	vpush v1, $0x5;
	_ =	sdelay $0x1  }
0x81: {  	s15 =	sshra.s32 s15, $0x2;
	(v2sf) =	vpush v1, $0x6  }
0x82: {  	s28 =	sadd.s32 $0x1900, s15;
	s6 =	sadd.s32 $0x1B00, s15  }
0x83: {  	s18 =	sadd.s32 $0x1E80, s15;
	s20 =	sadd.s32 $0x1D80, s15;
	s30 =	sadd.s32 $0x1A00, s15;
	(v2sf) =	vpush v1, $0x7  }
0x84: {  	s7 =	sadd.s32 $0x1B80, s15;
	s1 =	sadd.s32 $0x1C00, s15;
	s10 =	sadd.s32 $0x1D00, s15  }
0x85: {  	s16 =	sadd.s32 $0x1F80, s15;
	s23 =	sadd.s32 $0x1980, s15;
	s17 =	sadd.s32 $0x1F00, s15;
	(v2sf) =	vpush v1, $0x8  }
0x86: {  	s3 =	sadd.s32 $0x1C80, s15;
	s19 =	sadd.s32 $0x1E00, s15;
	s11 =	spop (v2sf)  }
0x87: {  	s22 =	sadd.s32 $0x1A80, s15;
	(v2sf) =	vpush v1, $0x9;
	s29 =	spop (v2sf);
	s11 =	sand.u32 $0x1FFFFFF0, s11  }
0x88: {  	s21 =	sand.u32 $0x1FFFFFF0, s29;
	s31 =	spop (v2sf);
	s11 =	sadd.s32 s4, s11  }
0x89: {  	(v2sf) =	vpush v1, $0xA;
	[tilespmem:s28], [sflag:$0x1] =	stream.linear.gather [hbm4b:s11+s2], $0x80, $0x38;
	[tilespmem:$0x15900] =	vst v63  }
0x8a: {  	s25 =	sand.u32 $0x1FFFFFF0, s31;
	s26 =	spop (v2sf);
	s21 =	sadd.s32 s4, s21  }
0x8b: {  	(v2sf) =	vpush v1, $0xB;
	[tilespmem:s23], [sflag:$0x1] =	stream.linear.gather [hbm4b:s21+s2], $0x80, $0x38;
	[tilespmem:$0x15900] =	vst v63  }
0x8c: {  	s28 =	sand.u32 $0x1FFFFFF0, s26;
	s29 =	spop (v2sf);
	s5 =	sadd.s32 s4, s25  }
0x8d: {  	(v2sf) =	vpush v1, $0xC;
	[tilespmem:s30], [sflag:$0x1] =	stream.linear.gather [hbm4b:s5+s2], $0x80, $0x38;
	[tilespmem:$0x15900] =	vst v63  }
0x8e: {  	s31 =	spop (v2sf);
	s0 =	sadd.s32 s4, s28;
	s30 =	sand.u32 $0x1FFFFFF0, s29  }
0x8f: {  	(v2sf) =	vpush v1, $0xD;
	[tilespmem:s22], [sflag:$0x1] =	stream.linear.gather [hbm4b:s0+s2], $0x80, $0x38;
	[tilespmem:$0x15900] =	vst v63  }
0x90: {  	s21 =	sand.u32 $0x1FFFFFF0, s31;
	s5 =	sadd.s32 s4, s30;
	s22 =	spop (v2sf)  }
0x91: {  	(v2sf) =	vpush v1, $0xE;
	[tilespmem:s6], [sflag:$0x1] =	stream.linear.gather [hbm4b:s5+s2], $0x80, $0x38;
	[tilespmem:$0x15900] =	vst v63  }
0x92: {  	s0 =	sadd.s32 s4, s21;
	s23 =	sand.u32 $0x1FFFFFF0, s22;
	s24 =	spop (v2sf)  }
0x93: {  	(v2sf) =	vpush v1, $0xF;
	[tilespmem:s7], [sflag:$0x1] =	stream.linear.gather [hbm4b:s0+s2], $0x80, $0x38;
	[tilespmem:$0x15900] =	vst v63  }
0x94: {  	s25 =	sand.u32 $0x1FFFFFF0, s24;
	s26 =	spop (v2sf);
	s5 =	sadd.s32 s4, s23  }
0x95: {  	[tilespmem:s1], [sflag:$0x1] =	stream.linear.gather [hbm4b:s5+s2], $0x80, $0x38;
	[tilespmem:$0x15900] =	vst v63  }
0x96: {  	s28 =	sand.u32 $0x1FFFFFF0, s26;
	s0 =	sadd.s32 s4, s25;
	s29 =	spop (v2sf)  }
0x97: {  	[tilespmem:s3], [sflag:$0x1] =	stream.linear.gather [hbm4b:s0+s2], $0x80, $0x38;
	[tilespmem:$0x15900] =	vst v63  }
0x98: {  	s1 =	sadd.s32 s4, s28;
	s30 =	sand.u32 $0x1FFFFFF0, s29;
	s31 =	spop (v2sf)  }
0x99: {  	[tilespmem:s10], [sflag:$0x1] =	stream.linear.gather [hbm4b:s1+s2], $0x80, $0x38;
	[tilespmem:$0x15900] =	vst v63  }
0x9a: {  	s5 =	sand.u32 $0x1FFFFFF0, s31;
	s6 =	spop (v2sf);
	s0 =	sadd.s32 s4, s30  }
0x9b: {  	[tilespmem:s20], [sflag:$0x1] =	stream.linear.gather [hbm4b:s0+s2], $0x80, $0x38;
	[tilespmem:$0x15900] =	vst v63  }
0x9c: {  	s7 =	sadd.s32 s4, s5;
	s11 =	spop (v2sf);
	s10 =	sand.u32 $0x1FFFFFF0, s6  }
0x9d: {  	[tilespmem:s19], [sflag:$0x1] =	stream.linear.gather [hbm4b:s7+s2], $0x80, $0x38;
	[tilespmem:$0x15900] =	vst v63  }
0x9e: {  	s21 =	spop (v2sf);
	s20 =	sand.u32 $0x1FFFFFF0, s11;
	s19 =	sadd.s32 s4, s10  }
0x9f: {  	[tilespmem:s18], [sflag:$0x1] =	stream.linear.gather [hbm4b:s19+s2], $0x80, $0x38;
	[tilespmem:$0x15900] =	vst v63  }
0xa0: {  	s23 =	sand.u32 $0x1FFFFFF0, s21;
	s24 =	spop (v2sf);
	s22 =	sadd.s32 s4, s20  }
0xa1: {  	[tilespmem:s17], [sflag:$0x1] =	stream.linear.gather [hbm4b:s22+s2], $0x80, $0x38;
	[tilespmem:$0x15900] =	vst v63  }
0xa2: {  	s25 =	sadd.s32 s4, s23;
	s26 =	sand.u32 $0x1FFFFFF0, s24;
	s28 =	spop (v2sf)  }
0xa3: {  	[tilespmem:s16], [sflag:$0x1] =	stream.linear.gather [hbm4b:s25+s2], $0x80, $0x38;
	[tilespmem:$0x15900] =	vst v63  }
0xa4: {  	s29 =	sadd.s32 $0x2000, s15;
	s1 =	sadd.s32 s4, s26;
	s3 =	sand.u32 $0x1FFFFFF0, s28  }
0xa5: {  	[tilespmem:s29], [sflag:$0x1] =	stream.linear.gather [hbm4b:s1+s2], $0x80, $0x38;
	[tilespmem:$0x15900] =	vst v63  }
0xa6: {  	s30 =	sadd.s32 $0x2080, s15;
	s31 =	sadd.s32 s4, s3  }
0xa7: {  	[tilespmem:s30], [sflag:$0x1] =	stream.linear.gather [hbm4b:s31+s2], $0x80, $0x38;
	[tilespmem:$0x15900] =	vst v63  }
0xa8: {  	_ =	swait.ge [sflag:s9], $0x14000  }
0xa9: {  	[sflag:s9] =	ssyncset.done $0x0  }
0xaa: {  	s15 =	simm.s32 $0x0;
	s16 =	simm.s32 $0x1D00;
	[sflag:s9] =	ssyncadd.s32 $0xFFFEC000  }
.LBB2_5:
0xab: {  	s0 =	sadd.s32 s15, s12  }
0xac: {  	s1 =	sand.u32 $0x70, s15;
	s0 =	sand.u32 $0x7F80, s0  }
0xad: {  	s0 =	sor.u32 s1, s0  }
0xae: {  	v1 =	vld [tilespmem:s0+$0x0];
	_ =	sdelay $0x3  }
0xaf: {  	v2 =	vld [tilespmem:s16+$0xFFFFFC00]  }
0xb0: {  	v3 =	vld [tilespmem:s16+$0xFFFFFC80];
	vm0 =	veq.s32 v1, $0x0  }
0xb1: {  	v12 =	vld [tilespmem:s16+$0xFFFFFF00];
	v1 =	vsel vm0, $0x0, v0  }
0xb2: {  	v4 =	vld [tilespmem:s16+$0xFFFFFD00];
	v5 =	vbroadcast v1, $0x0  }
0xb3: {  	v6 =	vld [tilespmem:s16+$0xFFFFFD80];
	v7 =	vbroadcast v1, $0x1  }
0xb4: {  	v8 =	vld [tilespmem:s16+$0xFFFFFE00];
	v57 =	vbroadcast v1, $0x6;
	v2 =	vmul.f32 v5, v2  }
0xb5: {  	v10 =	vld [tilespmem:s16+$0xFFFFFE80];
	v9 =	vbroadcast v1, $0x2;
	v3 =	vmul.f32 v3, v7  }
0xb6: {  	v13 =	vld [tilespmem:s16+$0xFFFFFF80];
	v11 =	vbroadcast v1, $0x3;
	v12 =	vmul.f32 v12, v57;
	[tilespmem:s16+$0xFFFFFC00] =	vst v2  }
0xb7: {  	v14 =	vld [tilespmem:s16+$0xFFFFFC10];
	v55 =	vbroadcast v1, $0x4;
	v2 =	vmul.f32 v4, v9;
	[tilespmem:s16+$0xFFFFFC80] =	vst v3  }
0xb8: {  	v15 =	vld [tilespmem:s16+$0xFFFFFC90];
	v56 =	vbroadcast v1, $0x5;
	v3 =	vmul.f32 v6, v11;
	[tilespmem:s16+$0xFFFFFF00] =	vst v12  }
0xb9: {  	v16 =	vld [tilespmem:s16+$0xFFFFFD10];
	v58 =	vbroadcast v1, $0x7;
	[tilespmem:s16+$0xFFFFFD00] =	vst v2;
	v2 =	vmul.f32 v8, v55  }
0xba: {  	v62 =	vld [tilespmem:s16+$0xFFFFFF90];
	[tilespmem:s16+$0xFFFFFD80] =	vst v3;
	v3 =	vmul.f32 v10, v56  }
0xbb: {  	v13 =	vmul.f32 v13, v58;
	[tilespmem:s16+$0xFFFFFE00] =	vst v2;
	v2 =	vld [tilespmem:s16+$0xFFFFFD90]  }
0xbc: {  	v14 =	vmul.f32 v5, v14;
	[tilespmem:s16+$0xFFFFFE80] =	vst v3;
	v3 =	vld [tilespmem:s16+$0xFFFFFE10]  }
0xbd: {  	v59 =	vld [tilespmem:s16+$0xFFFFFE90];
	v15 =	vmul.f32 v15, v7;
	[tilespmem:s16+$0xFFFFFF80] =	vst v13  }
0xbe: {  	v60 =	vld [tilespmem:s16+$0xFFFFFF10];
	v61 =	vmul.f32 v16, v9;
	[tilespmem:s16+$0xFFFFFC10] =	vst v14  }
0xbf: {  	v63 =	vld [tilespmem:s16+$0xFFFFFC20];
	v16 =	vmul.f32 v62, v58;
	[tilespmem:s16+$0xFFFFFC90] =	vst v15  }
0xc0: {  	v20 =	vld [tilespmem:s16+$0xFFFFFCA0];
	[tilespmem:s16+$0xFFFFFD10] =	vst v61;
	v2 =	vmul.f32 v2, v11  }
0xc1: {  	v23 =	vld [tilespmem:s16+$0xFFFFFF20];
	[tilespmem:s16+$0xFFFFFF90] =	vst v16;
	v3 =	vmul.f32 v3, v55  }
0xc2: {  	v12 =	vmul.f32 v59, v56;
	[tilespmem:s16+$0xFFFFFD90] =	vst v2;
	v2 =	vld [tilespmem:s16+$0xFFFFFD20]  }
0xc3: {  	v13 =	vmul.f32 v60, v57;
	[tilespmem:s16+$0xFFFFFE10] =	vst v3;
	v3 =	vld [tilespmem:s16+$0xFFFFFDA0]  }
0xc4: {  	v25 =	vld [tilespmem:s16+$0xFFFFFC30];
	v15 =	vmul.f32 v63, v5;
	[tilespmem:s16+$0xFFFFFE90] =	vst v12  }
0xc5: {  	v21 =	vld [tilespmem:s16+$0xFFFFFE20];
	v14 =	vmul.f32 v20, v7;
	[tilespmem:s16+$0xFFFFFF10] =	vst v13  }
0xc6: {  	v22 =	vld [tilespmem:s16+$0xFFFFFEA0];
	v16 =	vmul.f32 v23, v57;
	[tilespmem:s16+$0xFFFFFC20] =	vst v15  }
0xc7: {  	v24 =	vld [tilespmem:s16+$0xFFFFFFA0];
	[tilespmem:s16+$0xFFFFFCA0] =	vst v14;
	v2 =	vmul.f32 v2, v9  }
0xc8: {  	v44 =	vld [tilespmem:s16+$0x10];
	[tilespmem:s16+$0xFFFFFF20] =	vst v16;
	v3 =	vmul.f32 v3, v11  }
0xc9: {  	v5 =	vmul.f32 v25, v5;
	[tilespmem:s16+$0xFFFFFD20] =	vst v2;
	v2 =	vld [tilespmem:s16+$0xFFFFFCB0]  }
0xca: {  	v12 =	vmul.f32 v21, v55;
	[tilespmem:s16+$0xFFFFFDA0] =	vst v3;
	v3 =	vld [tilespmem:s16+$0xFFFFFD30]  }
0xcb: {  	v26 =	vld [tilespmem:s16+$0xFFFFFDB0];
	v34 =	vbroadcast v1, $0x8;
	v13 =	vmul.f32 v22, v56;
	[tilespmem:s16+$0xFFFFFC30] =	vst v5  }
0xcc: {  	v27 =	vld [tilespmem:s16+$0xFFFFFE30];
	v15 =	vmul.f32 v24, v58;
	[tilespmem:s16+$0xFFFFFE20] =	vst v12  }
0xcd: {  	v28 =	vld [tilespmem:s16+$0xFFFFFEB0];
	v14 =	vmul.f32 v44, v34;
	[tilespmem:s16+$0xFFFFFEA0] =	vst v13  }
0xce: {  	v29 =	vld [tilespmem:s16+$0xFFFFFF30];
	[tilespmem:s16+$0xFFFFFFA0] =	vst v15;
	v2 =	vmul.f32 v2, v7  }
0xcf: {  	v30 =	vld [tilespmem:s16+$0xFFFFFFB0];
	[tilespmem:s16+$0x10] =	vst v14;
	v3 =	vmul.f32 v3, v9  }
0xd0: {  	v31 =	vld [tilespmem:s16+$0x0];
	[tilespmem:s16+$0xFFFFFCB0] =	vst v2;
	v2 =	vmul.f32 v26, v11  }
0xd1: {  	v32 =	vld [tilespmem:s16+$0x80];
	[tilespmem:s16+$0xFFFFFD30] =	vst v3;
	v3 =	vmul.f32 v27, v55  }
0xd2: {  	v33 =	vld [tilespmem:s16+$0x100];
	[tilespmem:s16+$0xFFFFFDB0] =	vst v2;
	v2 =	vmul.f32 v28, v56  }
0xd3: {  	v35 =	vld [tilespmem:s16+$0x180];
	v36 =	vbroadcast v1, $0x9;
	[tilespmem:s16+$0xFFFFFE30] =	vst v3;
	v3 =	vmul.f32 v29, v57  }
0xd4: {  	v37 =	vld [tilespmem:s16+$0x200];
	v38 =	vbroadcast v1, $0xA;
	[tilespmem:s16+$0xFFFFFEB0] =	vst v2;
	v2 =	vmul.f32 v30, v58  }
0xd5: {  	v41 =	vld [tilespmem:s16+$0x300];
	v40 =	vbroadcast v1, $0xB;
	[tilespmem:s16+$0xFFFFFF30] =	vst v3;
	v3 =	vmul.f32 v31, v34  }
0xd6: {  	v43 =	vld [tilespmem:s16+$0x380];
	v42 =	vbroadcast v1, $0xC;
	[tilespmem:s16+$0xFFFFFFB0] =	vst v2;
	v2 =	vmul.f32 v32, v36  }
0xd7: {  	v46 =	vld [tilespmem:s16+$0x90];
	v45 =	vbroadcast v1, $0xD;
	[tilespmem:s16+$0x0] =	vst v3;
	v3 =	vmul.f32 v33, v38  }
0xd8: {  	v51 =	vld [tilespmem:s16+$0x390];
	v47 =	vbroadcast v1, $0xE;
	[tilespmem:s16+$0x80] =	vst v2;
	v2 =	vmul.f32 v35, v40  }
0xd9: {  	v49 =	vld [tilespmem:s16+$0x290];
	v1 =	vbroadcast v1, $0xF;
	[tilespmem:s16+$0x100] =	vst v3;
	v3 =	vmul.f32 v37, v42  }
0xda: {  	v12 =	vmul.f32 v41, v47;
	[tilespmem:s16+$0x180] =	vst v2;
	v2 =	vld [tilespmem:s16+$0x110]  }
0xdb: {  	v13 =	vmul.f32 v43, v1;
	[tilespmem:s16+$0x200] =	vst v3;
	v3 =	vld [tilespmem:s16+$0x190]  }
0xdc: {  	v50 =	vld [tilespmem:s16+$0x310];
	v15 =	vmul.f32 v46, v36;
	[tilespmem:s16+$0x300] =	vst v12  }
0xdd: {  	v52 =	vld [tilespmem:s16+$0x20];
	v14 =	vmul.f32 v51, v1;
	[tilespmem:s16+$0x380] =	vst v13  }
0xde: {  	v39 =	vld [tilespmem:s16+$0x280];
	[tilespmem:s16+$0x90] =	vst v15;
	v12 =	vmul.f32 v49, v45  }
0xdf: {  	v54 =	vld [tilespmem:s16+$0x220];
	[tilespmem:s16+$0x390] =	vst v14;
	v2 =	vmul.f32 v2, v38  }
0xe0: {  	v48 =	vld [tilespmem:s16+$0x210];
	[tilespmem:s16+$0x290] =	vst v12;
	v3 =	vmul.f32 v3, v40  }
0xe1: {  	v13 =	vmul.f32 v50, v47;
	[tilespmem:s16+$0x110] =	vst v2;
	v2 =	vld [tilespmem:s16+$0xA0]  }
0xe2: {  	v15 =	vmul.f32 v52, v34;
	[tilespmem:s16+$0x190] =	vst v3;
	v3 =	vld [tilespmem:s16+$0x120]  }
0xe3: {  	v53 =	vld [tilespmem:s16+$0x1A0];
	[tilespmem:s16+$0x310] =	vst v13;
	v11 =	vmul.f32 v39, v45  }
0xe4: {  	[tilespmem:s16+$0x20] =	vst v15;
	v12 =	vmul.f32 v54, v42;
	v55 =	vld [tilespmem:s16+$0x2A0]  }
0xe5: {  	[tilespmem:s16+$0x280] =	vst v11;
	v11 =	vmul.f32 v48, v42;
	v56 =	vld [tilespmem:s16+$0x320]  }
0xe6: {  	[tilespmem:s16+$0x220] =	vst v12;
	v57 =	vld [tilespmem:s16+$0x3A0];
	v2 =	vmul.f32 v2, v36  }
0xe7: {  	v63 =	vld [tilespmem:s16+$0x3B0];
	[tilespmem:s16+$0x210] =	vst v11;
	v3 =	vmul.f32 v3, v38  }
0xe8: {  	v11 =	vmul.f32 v53, v40;
	[tilespmem:s16+$0xA0] =	vst v2;
	v2 =	vld [tilespmem:s16+$0x30]  }
0xe9: {  	v13 =	vmul.f32 v55, v45;
	[tilespmem:s16+$0x120] =	vst v3;
	v3 =	vld [tilespmem:s16+$0xB0]  }
0xea: {  	v58 =	vld [tilespmem:s16+$0x130];
	[tilespmem:s16+$0x1A0] =	vst v11;
	v14 =	vmul.f32 v56, v47  }
0xeb: {  	v59 =	vld [tilespmem:s16+$0x1B0];
	[tilespmem:s16+$0x2A0] =	vst v13;
	v15 =	vmul.f32 v57, v1  }
0xec: {  	v60 =	vld [tilespmem:s16+$0x230];
	v1 =	vmul.f32 v63, v1;
	[tilespmem:s16+$0x320] =	vst v14  }
0xed: {  	v61 =	vld [tilespmem:s16+$0x2B0];
	[tilespmem:s16+$0x3A0] =	vst v15;
	v2 =	vmul.f32 v2, v34  }
0xee: {  	v62 =	vld [tilespmem:s16+$0x330];
	[tilespmem:s16+$0x3B0] =	vst v1;
	v3 =	vmul.f32 v3, v36  }
0xef: {  	[tilespmem:s16+$0x30] =	vst v2;
	v2 =	vmul.f32 v58, v38  }
0xf0: {  	p0 =	sne.s32 s15, $0x270;
	[tilespmem:s16+$0xB0] =	vst v3;
	v3 =	vmul.f32 v59, v40  }
.Ltmp1:
0xf1: {  	[tilespmem:s16+$0x130] =	vst v2;
	v2 =	vmul.f32 v60, v42;
	(pc) =	sbr.rel @p0 .LBB2_5-.Ltmp1, $4  }
0xf2: {  	[tilespmem:s16+$0x1B0] =	vst v3;
	v3 =	vmul.f32 v61, v45  }
0xf3: {  	[tilespmem:s16+$0x230] =	vst v2;
	v2 =	vmul.f32 v62, v47  }
0xf4: {  	[tilespmem:s16+$0x2B0] =	vst v3  }
0xf5: {  	s15 =	sadd.s32 $0x10, s15;
	[tilespmem:s16+$0x330] =	vst v2;
	s16 =	sadd.s32 $0x800, s16  }
0xf6: {  	s0 =	rddreg [dreg:$0x3]  }
0xf7: {  	s13 =	sadd.s32 $0x1, s13;
	s0 =	sadd.s32 s0, s14  }
0xf8: {  	s1 =	rddreg [dreg:$0x4];
	p0 =	sne.s32 s13, $0xA;
	s0 =	sshll.u32 s0, $0x4  }
.Ltmp2:
0xf9: {  	s31 =	simm.s32 $0x1900;
	s0 =	sadd.s32 s1, s0;
	(pc) =	sbr.rel @p0 .LBB2_2-.Ltmp2, $4  }
0xfa: {  	[hbm4b:s0+s2] =	stream.linear.scatter [tilespmem:s31], [sflag:$0x2], $0x14000, $0x38;
	[tilespmem:$0x15900] =	vst v63  }
0xfb: {  	_ =	swait.ge [sflag:s8], $0x14000  }
0xfc: {  	[sflag:s8] =	ssyncset.done $0x0  }
0xfd: {  	s12 =	sadd.s32 $0x280, s12;
	[sflag:s8] =	ssyncadd.s32 $0xFFFEC000  }
0xfe: {  	s1 =	rddreg [dreg:$0x7]  }
0xff: {  	s0 =	rddreg [dreg:$0x6];
	s1 =	sadd.s32 $0x1, s1  }
0x100: {  	p0 =	sne.s32 s1, s0  }
.Ltmp3:
0x101: {  	_ = 	snop;
	(pc) =	sbr.rel @p0 .LBB2_1-.Ltmp3, $1  }
0x102: {  	_ =	sdelay $0x3  }
0x103: {  	_ =	sfence.sel $0x180000  }
0x104: {  	[bflag:$0x0] =	sbarrier.arrive $0xFFFF  }
0x105: {  	_ =	strace $0x90000047  }
0x106: {  	s0 =	stileid.u32;
	[bflag:$0x2] =	sbarrier.arrive $0xFFFF  }
0x107: {  	p0 =	sne.s32 s0, $0x0;
	s0 =	rddreg [dreg:$0x2]  }
0x108: {  	s0 =	sadd.s32 @!p0 $0x100000, s0  }
0x109: {  	[sflag:s0] =	ssyncadd.tile.s32 @!p0 $0x1;
	_ =	shalt  }
.Lfunc_end2:
_tile_overlayer_lowered:
.L_overlay_start_2:
0x10a: {  	(tag) =	ssettag $0x2  }
0x10b: {  	s0 =	rddreg [dreg:$0x0];
	s2 =	stileid.u32  }
0x10c: {  	s1 =	rddreg [dreg:$0x1];
	p0 =	sne.s32 s2, $0x0  }
0x10d: {  	s3 =	rddreg [dreg:$0x2];
	[bflag:$0x3] =	sbarrier.arrive $0xFFFF;
	s2 =	simm.s32 @!p0 $0x1C02  }
0x10e: {  	[timem:s3], [sflag:s2] =	dma.local @!p0 [hbm:s0], s1  }
0x10f: {  	s0 =	simm.s32 @!p0 $0x2  }
0x110: {  	_ =	swait.ge @!p0 [sflag:s0], s1  }
0x111: {  	s1 =	ssub.s32 @!p0 $0x0, s1;
	[sflag:s0] =	ssyncset.done @!p0 $0x0  }
0x112: {  	[sflag:s0] =	ssyncadd.s32 @!p0 s1  }
0x113: {  	[bflag:$0x3] =	sbarrier.arrive $0xFFFF  }
0x114: {  	_ =	shalt  }

// kernel: sparse-core-data-format-call.cloned.1.call-start
scs
called_computation_lowered:
.L_overlay_start_0:
0x0: {  	s2 =	sld [smem:$0x3FD9]  }
0x1: {  	s3 =	sld [smem:$0x3FFE];
	_ =	sdelay $0x1  }
0x2: {  	s1 =	srdreg.scid  }
0x3: {  	s0 =	sand.u32 $0x1, s1  }
0x4: {  	s18 =	sshll.u32 s0, $0xA;
	s2 =	sadd.s32 s3, s2  }
0x5: {  	s2 =	sadd.s32 s2, s18  }
0x6: {  	[smem:$0x3FC6] =	sst s2  }
0x7: {  	_ = 	snop  }
0x8: {  	s2 =	sld [smem:$0x3FD0];
	(tm) =	ssettm $0x1  }
0x9: {  	s19 =	sld [smem:$0x3FFB];
	_ =	sdelay $0x3  }
0xa: {  	_ =	strace s19  }
0xb: {  	s3 =	sld [smem:$0x3FFC];
	_ =	sdelay $0x3  }
0xc: {  	_ =	strace s3  }
0xd: {  	s3 =	sld [smem:$0x3FFD];
	_ =	sdelay $0x3  }
0xe: {  	_ =	strace s3  }
0xf: {  	_ =	strace $0x8FFFFFFF  }
0x10: {  	s20 =	sld [smem:$0x3FDB];
	_ =	sdelay $0x1  }
0x11: {  	s4 =	simm.s32 $_scs_section_size  }
0x12: {  	s5 =	simm.s32 $_size__tile_overlayer_lowered;
	s6 =	simm.s32 $_tile_overlayer_lowered  }
0x13: {  	s23 =	simm.s32 $0x1BFF;
	s22 =	sshll.u32 s6, $0x1;
	s3 =	sadd.s32 s4, s20  }
0x14: {  	s7 =	simm.s32 $0x0;
	s21 =	sshll.u32 s5, $0x1;
	s5 =	sadd.s32 s22, s3  }
0x15: {  	[timem:s7], [sflag:s23] =	dma.local [hbm:s5], s21  }
0x16: {  	_ =	swait.ge [sflag:s23], s21  }
0x17: {  	s4 =	ssub.s32 $0x0, s21;
	[sflag:s23] =	ssyncset.done $0x0  }
0x18: {  	[sflag:s23] =	ssyncadd.s32 s4;
	_ =	sdelay $0x1  }
0x19: {  	s24 =	simm.s32 $0x1B8B  }
0x1a: {  	_ =	swait.ge [sflag:s24], $0x1  }
0x1b: {  	[sflag:s24] =	ssyncset.done $0x0  }
0x1c: {  	s26 =	simm.s32 $0x1B8E;
	s25 =	sld [smem:$0x3FFE];
	[sflag:s24] =	ssyncadd.s32 $0xFFFFFFFF  }
0x1d: {  	s27 =	simm.s32 $execute0_lowered;
	[smem:$0x3FD2] =	sst s26  }
0x1e: {  	s5 =	sshll.u32 s27, $0x1;
	_ =	strace $0x80000049;
	[dreg:$0x1] =	wrdreg $0xFFFFFFFF  }
0x1f: {  	s28 =	simm.s32 $_size_execute0_lowered;
	s3 =	sadd.s32 s3, s5;
	[dreg:$0x0] =	wrdreg $0x0  }
0x20: {  	s5 =	sshll.u32 s28, $0x1;
	[dreg:$0x2] =	wrdreg s3  }
0x21: {  	[dreg:$0x3] =	wrdreg s5  }
0x22: {  	[dreg:$0x4] =	wrdreg $0xC0  }
0x23: {  	_ =	task [dreg:s7], $0x5FFFF  }
0x24: {  	[dreg:$0x1] =	wrdreg $0xFFFFFFFF  }
0x25: {  	[dreg:$0x0] =	wrdreg $0x60  }
0x26: {  	[dreg:$0x2] =	wrdreg s25  }
0x27: {  	[dreg:$0x3] =	wrdreg s2  }
0x28: {  	[dreg:$0x4] =	wrdreg $0x9  }
0x29: {  	_ =	task.clear_ibuf [dreg:s7], $0x5FFFF;
	_ =	strace $0x90000049  }
0x2a: {  	s29 =	simm.s32 $0x9;
	_ =	strace $0x8000004B  }
0x2b: {  	_ =	swait.ge [sflag:s29], $0x1  }
0x2c: {  	[sflag:s29] =	ssyncadd.s32 $0xFFFFFFFF  }
0x2d: {  	_ =	strace $0x9000004B  }
0x2e: {  	_ =	sfence  }
0x2f: {  	s30 =	sld [smem:$0x0];
	_ =	sdelay $0x2  }
0x30: {  	s31 =	sshll.u32 s1, $0xD;
	s1 =	sshrl.u32 s1, $0x2  }
0x31: {  	s3 =	sand.u32 $0x4000, s31;
	s1 =	sadd.s32 s1, s30  }
0x32: {  	s0 =	sor.u32 s3, s0;
	s1 =	sshll.u32 s1, $0x11  }
0x33: {  	s0 =	sor.u32 s1, s0  }
0x34: {  	s0 =	sadd.s32 $0x8F2B, s0  }
0x35: {  	[sflag:s0] =	ssyncadd.remote.s32 $0x1  }
0x36: {  	_ =	sfence.sel $0xFFFF  }
0x37: {  	[dreg:$0x0] =	wrdreg $0xFFFFFFFF;
	(pc) =	sbr.abs _section_cstart, $3  }
0x38: {  	[dreg:$0x1] =	wrdreg $0xFFFFFFFF  }
0x39: {  	_ =	task.clear_ibuf [dreg:s7], $0x2FFFF;
	_ =	strace $0x9FFFFFFF  }
0x3a: {  	(tm) =	ssettm $0x7FFFFFFF  }
0x3b: {  	_ =	shalt  }
tec
execute0_lowered:
.L_overlay_start_1:
0x0: {  	(tag) =	ssettag $0x1  }
0x1: {  	s0 =	stileid.u32;
	s6 =	rddreg [dreg:$0x0]  }
0x2: {  	s2 =	rddreg [dreg:$0x1];
	s5 =	srdreg.scid  }
0x3: {  	s31 =	simm.s32 $0x2;
	s13 =	simm.s32 $0x0;
	s1 =	sshll.u32 s0, $0x7  }
0x4: {  	s14 =	simm.s32 $0x0;
	s12 =	simm.s32 $0x0;
	s3 =	sand.u32 $0x380, s1  }
0x5: {  	s5 =	sshll.u32 s5, $0x4;
	s6 =	sadd.s32 $0xF42C00, s6;
	s4 =	ssub.s32 $0x400, s3  }
0x6: {  	s1 =	rddreg [dreg:$0x2];
	_ =	strace $0x8000004A;
	s7 =	sand.u32 $0x380, s4  }
0x7: {  	s5 =	sand.u32 $0x10, s5;
	p0 =	sne.s32 s7, $0x0;
	s7 =	simm.s32 $0x1  }
.Ltmp0:
0x8: {  	s8 =	sshrl.u32 s4, $0xA;
	s7 =	simm.s32 @!p0 $0x0;
	(pc) =	sbr.rel .LBB1_1-.Ltmp0, $4  }
0x9: {  	s9 =	sor.u32 s0, s5;
	s4 =	simm.s32 $0x1;
	s30 =	sadd.s32 s7, s8  }
0xa: {  	s11 =	smov.u32 s3;
	[sflag:s4] =	ssyncpa.u1 $0x0;
	s5 =	smul.u32 $0x32, s30  }
0xb: {  	[sflag:s31] =	ssyncpa.u1 $0x0;
	p0 =	por $0x0, $0x0;
	s7 =	sshrl.u32 s9, $0x3  }
0xc: {  	s9 =	simm.s32 $0x2000;
	s10 =	smov.u32 s7;
	s8 =	sor.u32 $0x1, s5  }
.LBB1_4:
0xd: {  	s17 =	sand.u32 $0x1F80, s14;
	s13 =	sshll.u32 s13, $0xD  }
0xe: {  	[tilespmem:s16+$0x810 ss:$0x81] =	vst.msk $0xffff, v2;
	s18 =	sshrl.u32 s14, $0x3;
	s31 =	sand.u32 $0x7, s14;
	s17 =	sadd.s32 s2, s17  }
0xf: {  	[tilespmem:s16+$0x1020 ss:$0x81] =	vst.msk $0xffff, v0;
	s18 =	sand.u32 $0xF, s18;
	s14 =	sshll.u32 s31, $0x12;
	s13 =	sadd.s32 s13, s17  }
0x10: {  	[tilespmem:s16+$0x0 ss:$0x81] =	vst.msk $0xffff, v1;
	s14 =	sor.u32 $0x400, s14;
	s13 =	sadd.s32 s18, s13  }
0x11: {  	[hbm4b:s13+s14] =	stream.strided.scatter [tilespmem:s15], [sflag:$0x2], $0x2000, s9, s14, $0x20;
	[tilespmem:$0x8080] =	vst v63  }
.LBB1_5:
0x12: {  	s15 =	sadd.s32 $0x4, s10  }
0x13: {  	s13 =	sadd.s32 $0x400, s11;
	s17 =	smov.u32 s11;
	p2 =	sgt.s32 s15, $0xC7  }
0x14: {  	s17 =	smov.u32 @p2 s13  }
0x15: {  	s15 =	smov.u32 @p2 s7;
	p2 =	sgt.s32 s17, $0x3FF  }
0x16: {  	s17 =	smov.u32 @p2 s3;
	p2 =	sne.s32 s12, s8  }
.Ltmp1:
0x17: {  	p1 =	slt.u32 s12, $0x2;
	(pc) =	sbr.rel @!p2 .LBB1_6-.Ltmp1, $4  }
0x18: {  	s16 =	simm.s32 @!p1 $0x2  }
0x19: {  	s14 =	smov.u32 s11;
	p0 =	por !p0, !p0;
	_ =	swait.ge @!p1 [sflag:s16], $0x2000  }
0x1a: {  	s13 =	smov.u32 s10;
	[sflag:s16] =	ssyncset.done @!p1 $0x0;
	s10 =	smov.u32 s15  }
0x1b: {  	s12 =	sadd.s32 $0x1, s12;
	[sflag:s16] =	ssyncadd.s32 @!p1 $0xFFFFE000;
	s11 =	smov.u32 s17  }
.LBB1_1:
0x1c: {  	p1 =	sge.u32 s12, s5  }
0x1d: {  	s15 =	sand.u32 @!p1 $0x1FFFFFF, s10  }
0x1e: {  	s16 =	smulhi.u32 @!p1 $0x147AE15, s15;
	_ =	sdelay $0x1  }
0x1f: {  	s16 =	smul.u32 @!p1 $0xC8, s16  }
0x20: {  	s17 =	sxor.u32 @!p1 $0xFFFFFFFF, s12;
	s18 =	smul.u32 @!p1 $0xC80, s11  }
0x21: {  	s31 =	sadd.s32 $0xFFFFFFFF, s12;
	s17 =	sshll.u32 @!p1 s17, $0xD;
	s15 =	ssub.s32 @!p1 s15, s16  }
0x22: {  	s16 =	sand.u32 @!p1 $0x2000, s17;
	s17 =	sadd.s32 @!p1 s6, s18;
	s15 =	sshll.u32 @!p1 s15, $0x4  }
0x23: {  	s18 =	simm.s32 @!p1 $0x6400;
	s15 =	sadd.s32 @!p1 s15, s17;
	s17 =	simm.s32 @!p1 $0x40  }
0x24: {  	[tilespmem:s16], [sflag:$0x1] =	stream.strided.gather @!p1 [hbm4b:s15+s17], $0x2000, s18, s17, $0x38;
	[tilespmem:$0x8080] =	vst v63  }
0x25: {  	p1 =	sge.u32 s31, s5  }
.Ltmp2:
0x26: {  	_ = 	snop;
	(pc) =	sbr.rel @p1 .LBB1_5-.Ltmp2, $1  }
0x27: {  	_ =	sdelay $0x3  }
0x28: {  	s15 =	simm.s32 $0x1  }
0x29: {  	_ =	swait.ge [sflag:s4], $0x2000;
	s15 =	simm.s32 @!p0 $0x0  }
0x2a: {  	[sflag:s4] =	ssyncset.done $0x0;
	s16 =	sshll.u32 s15, $0xD  }
0x2b: {  	[sflag:s4] =	ssyncadd.s32 $0xFFFFE000;
	s19 =	sor.u32 $0x20, s16  }
0x2c: {  	s15 =	smul.u32 $0x8100, s15;
	v3 =	vld [tilespmem:s19+$0x10]  }
0x2d: {  	s30 =	sand.u32 $0x1, s12;
	v2 =	vld [tilespmem:s19+$0xFFFFFFF0]  }
0x2e: {  	s16 =	smul.u32 $0x8100, s30;
	s15 =	sshrl.u32 s15, $0x2;
	v0 =	vld [tilespmem:s19+$0x0]  }
0x2f: {  	v1 =	vld [tilespmem:s19+$0xFFFFFFE0];
	s17 =	sor.u32 $0x4000, s15  }
0x30: {  	s31 =	sshrl.u32 s16, $0x2;
	s16 =	sadd.s32 $0x0, s17  }
0x31: {  	s18 =	simm.s32 $0x4;
	s19 =	sadd.s32 $0x40, s19;
	s15 =	sor.u32 $0x4000, s31;
	[tilespmem:s16+$0x1830 ss:$0x81] =	vst.msk $0xffff, v3  }
.LBB1_3:
0x32: {  	v3 =	vld [tilespmem:s19+$0x10];
	p1 =	sne.s32 s18, $0x1FC;
	[tilespmem:s16+$0x810 ss:$0x81] =	vst.msk $0xffff, v2;
	s20 =	smov.u32 s18;
	s18 =	sadd.s32 $0x4, s18  }
.Ltmp3:
0x33: {  	v2 =	vld [tilespmem:s19+$0xFFFFFFF0];
	[tilespmem:s16+$0x1020 ss:$0x81] =	vst.msk $0xffff, v0;
	(pc) =	sbr.rel @p1 .LBB1_3-.Ltmp3, $4  }
0x34: {  	v0 =	vld [tilespmem:s19+$0x0];
	[tilespmem:s16+$0x0 ss:$0x81] =	vst.msk $0xffff, v1  }
0x35: {  	s16 =	sshra.s32 s20, $0x2;
	v1 =	vld [tilespmem:s19+$0xFFFFFFE0]  }
0x36: {  	s16 =	sadd.s32 s16, s17  }
0x37: {  	s19 =	sadd.s32 $0x40, s19;
	[tilespmem:s16+$0x1830 ss:$0x81] =	vst.msk $0xffff, v3  }
.Ltmp4:
0x38: {  	_ = 	snop;
	(pc) =	sbr.rel .LBB1_4-.Ltmp4, $1  }
0x39: {  	_ =	sdelay $0x3  }
.LBB1_6:
0x3a: {  	_ =	sfence.sel $0x180000  }
0x3b: {  	s2 =	simm.s32 $0x1;
	[bflag:$0x0] =	sbarrier.arrive $0xFFFF  }
0x3c: {  	s31 =	simm.s32 $0x2;
	[sflag:s2] =	ssyncpa.u1 $0x1  }
0x3d: {  	[sflag:s31] =	ssyncpa.u1 $0x1  }
0x3e: {  	p0 =	sne.s32 s0, $0x0;
	_ =	strace $0x9000004A  }
0x3f: {  	s0 =	sadd.s32 @!p0 $0x100000, s1;
	[bflag:$0x2] =	sbarrier.arrive $0xFFFF  }
0x40: {  	[sflag:s0] =	ssyncadd.tile.s32 @!p0 $0x1;
	_ =	shalt  }
.Lfunc_end1:
_tile_overlayer_lowered:
.L_overlay_start_2:
0x41: {  	(tag) =	ssettag $0x2  }
0x42: {  	s0 =	rddreg [dreg:$0x0];
	s2 =	stileid.u32  }
0x43: {  	s1 =	rddreg [dreg:$0x1];
	p0 =	sne.s32 s2, $0x0  }
0x44: {  	s3 =	rddreg [dreg:$0x2];
	[bflag:$0x3] =	sbarrier.arrive $0xFFFF;
	s2 =	simm.s32 @!p0 $0x1C01  }
0x45: {  	[timem:s3], [sflag:s2] =	dma.local @!p0 [hbm:s0], s1  }
0x46: {  	s0 =	simm.s32 @!p0 $0x1  }
0x47: {  	_ =	swait.ge @!p0 [sflag:s0], s1  }
0x48: {  	s1 =	ssub.s32 @!p0 $0x0, s1;
	[sflag:s0] =	ssyncset.done @!p0 $0x0  }
0x49: {  	[sflag:s0] =	ssyncadd.s32 @!p0 s1  }
0x4a: {  	[bflag:$0x3] =	sbarrier.arrive $0xFFFF  }
0x4b: {  	_ =	shalt  }

</sc_bundles>
